<compile_context>
chip_gen: v7x
topology: tpu7x:2x2x1
jax: 0.10.2.dev20260603
libtpu: 0.0.44.dev20260713+nightly
codegen_flags: <defaults>
</compile_context>

<pallas_src>
import jax
import jax.numpy as jnp
from jax import lax
from jax.experimental import pallas as pl
from jax.experimental.pallas import tpu as pltpu
from jax.experimental.pallas import tpu_sc as plsc


_ROWS = 16384
_COLS = 4096
_HALF = _COLS // 2
_NC = 2
_NS = 16
_NW = _NC * _NS
_SLABS = _ROWS // 8
_SLABS_PER_W = _SLABS // _NW


def _sc_body(x_hbm, perm_hbm, o_hbm, perm_v, in_v, out_v,
             sem_in, sem_out):
    wid = lax.axis_index("s") * _NC + lax.axis_index("c")
    base = wid * _SLABS_PER_W

    pltpu.sync_copy(perm_hbm, perm_v)

    def rows(g):
        return pl.ds((base + g) * 8, 8)

    pltpu.async_copy(x_hbm.at[rows(0), :], in_v.at[0], sem_in.at[0])
    pltpu.async_copy(x_hbm.at[rows(1), :], in_v.at[1], sem_in.at[1])

    @pl.loop(0, _SLABS_PER_W, step=2)
    def _(g0):
        for b in range(2):
            g = g0 + b

            pltpu.make_async_copy(
                x_hbm.at[rows(g), :], in_v.at[b], sem_in.at[b]
            ).wait()

            for h in range(2):
                @pl.when(g >= 1)
                def _():
                    pltpu.make_async_copy(
                        out_v.at[h],
                        o_hbm.at[rows(g - 1), pl.ds(h * _HALF, _HALF)],
                        sem_out.at[h],
                    ).wait()

                @plsc.parallel_loop(0, _HALF // 16, step=1, unroll=4)
                def _(t):
                    j0 = pl.multiple_of(t * 16, 16)
                    cvec = perm_v[pl.ds(h * _HALF + j0, 16)]
                    for s in range(8):
                        svec = jnp.full((16,), s, jnp.int32)
                        vals = plsc.load_gather(in_v.at[b], [svec, cvec])
                        out_v[h, s, pl.ds(j0, 16)] = vals

                pltpu.async_copy(
                    out_v.at[h],
                    o_hbm.at[rows(g), pl.ds(h * _HALF, _HALF)],
                    sem_out.at[h],
                )

            @pl.when(g + 2 < _SLABS_PER_W)
            def _():
                pltpu.async_copy(
                    x_hbm.at[rows(g + 2), :], in_v.at[b], sem_in.at[b]
                )

    g_last = _SLABS_PER_W - 1
    for h in range(2):
        pltpu.make_async_copy(
            out_v.at[h],
            o_hbm.at[rows(g_last), pl.ds(h * _HALF, _HALF)],
            sem_out.at[h],
        ).wait()


def kernel(x, perm):
    perm32 = perm.astype(jnp.int32)
    mesh = plsc.VectorSubcoreMesh(core_axis_name="c", subcore_axis_name="s")
    k = pl.kernel(
        _sc_body,
        mesh=mesh,
        compiler_params=pltpu.CompilerParams(needs_layout_passes=False),
        out_type=jax.ShapeDtypeStruct((_ROWS, _COLS), jnp.float32),
        scratch_types=[
            pltpu.VMEM((_COLS,), jnp.int32),
            pltpu.VMEM((2, 8, _COLS), jnp.float32),
            pltpu.VMEM((2, 8, _HALF), jnp.float32),
            pltpu.SemaphoreType.DMA((2,)),
            pltpu.SemaphoreType.DMA((2,)),
        ],
    )
    out = k(x, perm32)
    return (out, 0)

# --- scband reference (transcript-rebuilt; emitter-appended) ---
"""Pipeline reference for scband-random-permutation-59777354825926 (READ-ONLY COPY).

The authoritative reference and input builder live on the scoring server;
editing this copy changes nothing except your own understanding.
"""

import jax, jax.numpy as jnp
import numpy as np

DIMS_IN = 4096
SEED = 0

def setup_inputs(seed: int = 0) -> dict:
    key = jax.random.key(seed)
    x = jax.random.normal(key, (16384, DIMS_IN), dtype=jnp.float32)
    np.random.seed(SEED)
    perm = np.random.permutation(DIMS_IN)
    perm = jnp.asarray(perm, dtype=jnp.int64)
    return {"x": x, "perm": perm}

def reference(x, perm):
    # forward: gather columns by permutation; log-likelihood contribution is 0
    out = jnp.take(x, perm, axis=1)
    return (out, 0)

if __name__ == "__main__":
    import jax
    _d = setup_inputs()
    print(jax.jit(kernel)(*tuple(_d.values())))

</pallas_src>

<mosaic_0001>
#map = affine_map<(d0, d1) -> (0, 0)>
#map1 = affine_map<(d0, d1) -> (0)>
module attributes {stable_mosaic.version = 14 : i64} {
  func.func @_sc_body(%arg0: i32, %arg1: i32, %arg2: memref<16384x4096xf32, #tpu.memory_space<hbm>>, %arg3: memref<4096xi32, #tpu.memory_space<hbm>>, %arg4: memref<16384x4096xf32, #tpu.memory_space<hbm>>, %arg5: memref<4096xi32, #tpu.memory_space<vmem>>, %arg6: memref<2x8x4096xf32, #tpu.memory_space<vmem>>, %arg7: memref<2x8x2048xf32, #tpu.memory_space<vmem>>, %arg8: memref<2x!tpu.dma_semaphore, #tpu.memory_space<semaphore_mem>>, %arg9: memref<2x!tpu.dma_semaphore, #tpu.memory_space<semaphore_mem>>) attributes {dimension_semantics = [#tpu.dimension_semantics<core_parallel>, #tpu.dimension_semantics<subcore_parallel>], iteration_bounds = array<i64: 2, 16>, scalar_prefetch = 0 : i64, scratch_operands = 5 : i64, tpu.core_type = #tpu.core_type<sc_vector_subcore>, window_params = [{transform_indices = #map}, {transform_indices = #map1}, {transform_indices = #map}]} {
    %mul3A = arith.constant 2 : i32
    %mul3A_0 = arith.muli %arg1, %mul3A : i32
    %add3A = arith.addi %mul3A_0, %arg0 : i32
    %mul3A_1 = arith.constant 64 : i32
    %mul3A_2 = arith.muli %add3A, %mul3A_1 : i32
    "tpu.region"() ({
      %run_scoped3A = tpu.sem_alloc : memref<!tpu.dma_semaphore, #tpu.memory_space<semaphore_mem>>
      tpu.enqueue_dma source(%arg3 : memref<4096xi32, #tpu.memory_space<hbm>>) target(%arg5 : memref<4096xi32, #tpu.memory_space<vmem>>) target_semaphore(%run_scoped3A : memref<!tpu.dma_semaphore, #tpu.memory_space<semaphore_mem>>)
      tpu.wait_dma2 semaphore(%run_scoped3A : memref<!tpu.dma_semaphore, #tpu.memory_space<semaphore_mem>>) src(%arg3 : memref<4096xi32, #tpu.memory_space<hbm>>) dst(%arg5 : memref<4096xi32, #tpu.memory_space<vmem>>)
      tpu.yield
    }) : () -> ()
    %add3A_3 = arith.constant 0 : i32
    %add3A_4 = arith.addi %mul3A_2, %add3A_3 : i32
    %mul3A_5 = arith.constant 8 : i32
    %mul3A_6 = arith.muli %add3A_4, %mul3A_5 : i32
    %dma_start3A = arith.constant 0 : i32
    %dma_start3A_7 = arith.constant 0 : i32
    %dma_start3A_8 = arith.constant 0 : i32
    %dma_start3A_9 = arith.constant 0 : i32
    %dma_start3A_10 = tpu.memref_slice %arg6[%dma_start3A, %dma_start3A_8, %dma_start3A_9] : memref<2x8x4096xf32, #tpu.memory_space<vmem>> -> memref<1x8x4096xf32, #tpu.memory_space<vmem>>
    %dma_start3A_11 = tpu.memref_squeeze %dma_start3A_10 : memref<1x8x4096xf32, #tpu.memory_space<vmem>> -> memref<8x4096xf32, #tpu.memory_space<vmem>>
    %dma_start3A_12 = arith.constant 0 : i32
    %dma_start3A_13 = tpu.memref_slice %arg2[%mul3A_6, %dma_start3A_12] : memref<16384x4096xf32, #tpu.memory_space<hbm>> -> memref<8x4096xf32, #tpu.memory_space<hbm>>
    %dma_start3A_14 = tpu.memref_slice %arg8[%dma_start3A_7] : memref<2x!tpu.dma_semaphore, #tpu.memory_space<semaphore_mem>> -> memref<1x!tpu.dma_semaphore, #tpu.memory_space<semaphore_mem>>
    %dma_start3A_15 = tpu.memref_squeeze %dma_start3A_14 : memref<1x!tpu.dma_semaphore, #tpu.memory_space<semaphore_mem>> -> memref<!tpu.dma_semaphore, #tpu.memory_space<semaphore_mem>>
    %dma_start3A_16 = arith.constant 0 : i32
    %dma_start3A_17 = arith.constant 0 : i32
    %dma_start3A_18 = tpu.memref_slice %arg6[%dma_start3A, %dma_start3A_16, %dma_start3A_17] : memref<2x8x4096xf32, #tpu.memory_space<vmem>> -> memref<1x8x4096xf32, #tpu.memory_space<vmem>>
    %dma_start3A_19 = tpu.memref_squeeze %dma_start3A_18 : memref<1x8x4096xf32, #tpu.memory_space<vmem>> -> memref<8x4096xf32, #tpu.memory_space<vmem>>
    %dma_start3A_20 = arith.constant 0 : i32
    %dma_start3A_21 = tpu.memref_slice %arg2[%mul3A_6, %dma_start3A_20] : memref<16384x4096xf32, #tpu.memory_space<hbm>> -> memref<8x4096xf32, #tpu.memory_space<hbm>>
    tpu.enqueue_dma source(%dma_start3A_21 : memref<8x4096xf32, #tpu.memory_space<hbm>>) target(%dma_start3A_19 : memref<8x4096xf32, #tpu.memory_space<vmem>>) target_semaphore(%dma_start3A_15 : memref<!tpu.dma_semaphore, #tpu.memory_space<semaphore_mem>>)
    %add3A_22 = arith.constant 1 : i32
    %add3A_23 = arith.addi %mul3A_2, %add3A_22 : i32
    %mul3A_24 = arith.constant 8 : i32
    %mul3A_25 = arith.muli %add3A_23, %mul3A_24 : i32
    %dma_start3A_26 = arith.constant 1 : i32
    %dma_start3A_27 = arith.constant 1 : i32
    %dma_start3A_28 = arith.constant 0 : i32
    %dma_start3A_29 = arith.constant 0 : i32
    %dma_start3A_30 = tpu.memref_slice %arg6[%dma_start3A_26, %dma_start3A_28, %dma_start3A_29] : memref<2x8x4096xf32, #tpu.memory_space<vmem>> -> memref<1x8x4096xf32, #tpu.memory_space<vmem>>
    %dma_start3A_31 = tpu.memref_squeeze %dma_start3A_30 : memref<1x8x4096xf32, #tpu.memory_space<vmem>> -> memref<8x4096xf32, #tpu.memory_space<vmem>>
    %dma_start3A_32 = arith.constant 0 : i32
    %dma_start3A_33 = tpu.memref_slice %arg2[%mul3A_25, %dma_start3A_32] : memref<16384x4096xf32, #tpu.memory_space<hbm>> -> memref<8x4096xf32, #tpu.memory_space<hbm>>
    %dma_start3A_34 = tpu.memref_slice %arg8[%dma_start3A_27] : memref<2x!tpu.dma_semaphore, #tpu.memory_space<semaphore_mem>> -> memref<1x!tpu.dma_semaphore, #tpu.memory_space<semaphore_mem>>
    %dma_start3A_35 = tpu.memref_squeeze %dma_start3A_34 : memref<1x!tpu.dma_semaphore, #tpu.memory_space<semaphore_mem>> -> memref<!tpu.dma_semaphore, #tpu.memory_space<semaphore_mem>>
    %dma_start3A_36 = arith.constant 0 : i32
    %dma_start3A_37 = arith.constant 0 : i32
    %dma_start3A_38 = tpu.memref_slice %arg6[%dma_start3A_26, %dma_start3A_36, %dma_start3A_37] : memref<2x8x4096xf32, #tpu.memory_space<vmem>> -> memref<1x8x4096xf32, #tpu.memory_space<vmem>>
    %dma_start3A_39 = tpu.memref_squeeze %dma_start3A_38 : memref<1x8x4096xf32, #tpu.memory_space<vmem>> -> memref<8x4096xf32, #tpu.memory_space<vmem>>
    %dma_start3A_40 = arith.constant 0 : i32
    %dma_start3A_41 = tpu.memref_slice %arg2[%mul3A_25, %dma_start3A_40] : memref<16384x4096xf32, #tpu.memory_space<hbm>> -> memref<8x4096xf32, #tpu.memory_space<hbm>>
    tpu.enqueue_dma source(%dma_start3A_41 : memref<8x4096xf32, #tpu.memory_space<hbm>>) target(%dma_start3A_39 : memref<8x4096xf32, #tpu.memory_space<vmem>>) target_semaphore(%dma_start3A_35 : memref<!tpu.dma_semaphore, #tpu.memory_space<semaphore_mem>>)
    %scan3A = arith.constant 0 : i32
    %scan3A_42 = arith.constant 32 : i32
    %scan3A_43 = arith.addi %scan3A, %scan3A_42 : i32
    %scan3A_44 = arith.constant 1 : i32
    scf.for %scan3A_85 = %scan3A to %scan3A_43 step %scan3A_44  : i32 {
      %mul3A_86 = arith.constant 2 : i32
      %mul3A_87 = arith.muli %scan3A_85, %mul3A_86 : i32
      %add3A_88 = arith.constant 0 : i32
      %add3A_89 = arith.addi %add3A_88, %mul3A_87 : i32
      %add3A_90 = arith.constant 0 : i32
      %add3A_91 = arith.addi %add3A_89, %add3A_90 : i32
      %add3A_92 = arith.addi %mul3A_2, %add3A_91 : i32
      %mul3A_93 = arith.constant 8 : i32
      %mul3A_94 = arith.muli %add3A_92, %mul3A_93 : i32
      %dma_wait3A_95 = arith.constant 0 : i32
      %dma_wait3A_96 = arith.constant 0 : i32
      %dma_wait3A_97 = arith.constant 0 : i32
      %dma_wait3A_98 = arith.constant 0 : i32
      %dma_wait3A_99 = tpu.memref_slice %arg6[%dma_wait3A_95, %dma_wait3A_97, %dma_wait3A_98] : memref<2x8x4096xf32, #tpu.memory_space<vmem>> -> memref<1x8x4096xf32, #tpu.memory_space<vmem>>
      %dma_wait3A_100 = tpu.memref_squeeze %dma_wait3A_99 : memref<1x8x4096xf32, #tpu.memory_space<vmem>> -> memref<8x4096xf32, #tpu.memory_space<vmem>>
      %dma_wait3A_101 = arith.constant 0 : i32
      %dma_wait3A_102 = tpu.memref_slice %arg2[%mul3A_94, %dma_wait3A_101] : memref<16384x4096xf32, #tpu.memory_space<hbm>> -> memref<8x4096xf32, #tpu.memory_space<hbm>>
      %dma_wait3A_103 = tpu.memref_slice %arg8[%dma_wait3A_96] : memref<2x!tpu.dma_semaphore, #tpu.memory_space<semaphore_mem>> -> memref<1x!tpu.dma_semaphore, #tpu.memory_space<semaphore_mem>>
      %dma_wait3A_104 = tpu.memref_squeeze %dma_wait3A_103 : memref<1x!tpu.dma_semaphore, #tpu.memory_space<semaphore_mem>> -> memref<!tpu.dma_semaphore, #tpu.memory_space<semaphore_mem>>
      %dma_wait3A_105 = arith.constant 0 : i32
      %dma_wait3A_106 = arith.constant 0 : i32
      %dma_wait3A_107 = tpu.memref_slice %arg6[%dma_wait3A_95, %dma_wait3A_105, %dma_wait3A_106] : memref<2x8x4096xf32, #tpu.memory_space<vmem>> -> memref<1x8x4096xf32, #tpu.memory_space<vmem>>
      %dma_wait3A_108 = tpu.memref_squeeze %dma_wait3A_107 : memref<1x8x4096xf32, #tpu.memory_space<vmem>> -> memref<8x4096xf32, #tpu.memory_space<vmem>>
      %dma_wait3A_109 = arith.constant 0 : i32
      %dma_wait3A_110 = tpu.memref_slice %arg2[%mul3A_94, %dma_wait3A_109] : memref<16384x4096xf32, #tpu.memory_space<hbm>> -> memref<8x4096xf32, #tpu.memory_space<hbm>>
      tpu.wait_dma2 semaphore(%dma_wait3A_104 : memref<!tpu.dma_semaphore, #tpu.memory_space<semaphore_mem>>) src(%dma_wait3A_110 : memref<8x4096xf32, #tpu.memory_space<hbm>>) dst(%dma_wait3A_108 : memref<8x4096xf32, #tpu.memory_space<vmem>>)
      %ge3A = arith.constant 1 : i32
      %ge3A_111 = arith.cmpi sge, %add3A_91, %ge3A : i32
      %convert_element_type3A = arith.extui %ge3A_111 : i1 to i32
      %cond3A = arith.constant 0 : i32
      %cond3A_112 = arith.cmpi ne, %convert_element_type3A, %cond3A : i32
      scf.if %cond3A_112 {
        %sub3A = arith.constant 1 : i32
        %sub3A_249 = arith.subi %add3A_91, %sub3A : i32
        %add3A_250 = arith.addi %mul3A_2, %sub3A_249 : i32
        %mul3A_251 = arith.constant 8 : i32
        %mul3A_252 = arith.muli %add3A_250, %mul3A_251 : i32
        %dma_wait3A_253 = arith.constant 0 : i32
        %dma_wait3A_254 = arith.constant 0 : i32
        %dma_wait3A_255 = arith.constant 0 : i32
        %dma_wait3A_256 = arith.constant 0 : i32
        %dma_wait3A_257 = tpu.memref_slice %arg7[%dma_wait3A_253, %dma_wait3A_255, %dma_wait3A_256] : memref<2x8x2048xf32, #tpu.memory_space<vmem>> -> memref<1x8x2048xf32, #tpu.memory_space<vmem>>
        %dma_wait3A_258 = tpu.memref_squeeze %dma_wait3A_257 : memref<1x8x2048xf32, #tpu.memory_space<vmem>> -> memref<8x2048xf32, #tpu.memory_space<vmem>>
        %dma_wait3A_259 = arith.constant 0 : i32
        %dma_wait3A_260 = tpu.memref_slice %arg4[%mul3A_252, %dma_wait3A_259] : memref<16384x4096xf32, #tpu.memory_space<hbm>> -> memref<8x2048xf32, #tpu.memory_space<hbm>>
        %dma_wait3A_261 = tpu.memref_slice %arg9[%dma_wait3A_254] : memref<2x!tpu.dma_semaphore, #tpu.memory_space<semaphore_mem>> -> memref<1x!tpu.dma_semaphore, #tpu.memory_space<semaphore_mem>>
        %dma_wait3A_262 = tpu.memref_squeeze %dma_wait3A_261 : memref<1x!tpu.dma_semaphore, #tpu.memory_space<semaphore_mem>> -> memref<!tpu.dma_semaphore, #tpu.memory_space<semaphore_mem>>
        %dma_wait3A_263 = arith.constant 0 : i32
        %dma_wait3A_264 = tpu.memref_slice %arg4[%mul3A_252, %dma_wait3A_263] : memref<16384x4096xf32, #tpu.memory_space<hbm>> -> memref<8x2048xf32, #tpu.memory_space<hbm>>
        %dma_wait3A_265 = arith.constant 0 : i32
        %dma_wait3A_266 = arith.constant 0 : i32
        %dma_wait3A_267 = tpu.memref_slice %arg7[%dma_wait3A_253, %dma_wait3A_265, %dma_wait3A_266] : memref<2x8x2048xf32, #tpu.memory_space<vmem>> -> memref<1x8x2048xf32, #tpu.memory_space<vmem>>
        %dma_wait3A_268 = tpu.memref_squeeze %dma_wait3A_267 : memref<1x8x2048xf32, #tpu.memory_space<vmem>> -> memref<8x2048xf32, #tpu.memory_space<vmem>>
        tpu.wait_dma2 semaphore(%dma_wait3A_262 : memref<!tpu.dma_semaphore, #tpu.memory_space<semaphore_mem>>) src(%dma_wait3A_268 : memref<8x2048xf32, #tpu.memory_space<vmem>>) dst(%dma_wait3A_264 : memref<8x2048xf32, #tpu.memory_space<hbm>>)
      } else {
      }
      %parallel_loop3A = arith.constant 0 : i32
      %parallel_loop3A_113 = arith.constant 128 : i32
      %parallel_loop3A_114 = arith.constant 1 : i32
      scf.for %parallel_loop3A_249 = %parallel_loop3A to %parallel_loop3A_113 step %parallel_loop3A_114  : i32 {
        %parallel_loop3A_250 = arith.constant 16 : i32
        %parallel_loop3A_251 = arith.muli %parallel_loop3A_249, %parallel_loop3A_250 : i32
        %parallel_loop3A_252 = tpu.assume_multiple %parallel_loop3A_251, 16 : i32
        %parallel_loop3A_253 = arith.constant 0 : i32
        %parallel_loop3A_254 = arith.addi %parallel_loop3A_253, %parallel_loop3A_252 : i32
        %parallel_loop3A_255 = arith.index_cast %parallel_loop3A_254 : i32 to index
        %parallel_loop3A_256 = tpu.vector_load %arg5[%parallel_loop3A_255] {strides = array<i32>} : memref<4096xi32, #tpu.memory_space<vmem>>, vector<16xi32>,
        %parallel_loop3A_257 = arith.constant 0 : i32
        %parallel_loop3A_258 = vector.broadcast %parallel_loop3A_257 : i32 to vector<16xi32>
        %parallel_loop3A_259 = arith.constant 0 : i32
        %parallel_loop3A_260 = arith.constant 0 : i32
        %parallel_loop3A_261 = arith.constant 0 : i32
        %parallel_loop3A_262 = tpu.memref_slice %arg6[%parallel_loop3A_259, %parallel_loop3A_260, %parallel_loop3A_261] : memref<2x8x4096xf32, #tpu.memory_space<vmem>> -> memref<1x8x4096xf32, #tpu.memory_space<vmem>>
        %parallel_loop3A_263 = tpu.memref_squeeze %parallel_loop3A_262 : memref<1x8x4096xf32, #tpu.memory_space<vmem>> -> memref<8x4096xf32, #tpu.memory_space<vmem>>
        %parallel_loop3A_264 = tpu.vector_load_idx %parallel_loop3A_263[%parallel_loop3A_258, %parallel_loop3A_256] : memref<8x4096xf32, #tpu.memory_space<vmem>>[vector<16xi32>, vector<16xi32>], vector<16xf32>,
        %parallel_loop3A_265 = arith.constant 0 : i32
        %parallel_loop3A_266 = arith.constant 0 : i32
        %parallel_loop3A_267 = arith.index_cast %parallel_loop3A_265 : i32 to index
        %parallel_loop3A_268 = arith.index_cast %parallel_loop3A_266 : i32 to index
        %parallel_loop3A_269 = arith.index_cast %parallel_loop3A_252 : i32 to index
        %parallel_loop3A_270 = tpu.vector_load %arg7[%parallel_loop3A_267, %parallel_loop3A_268, %parallel_loop3A_269] {strides = array<i32>} : memref<2x8x2048xf32, #tpu.memory_space<vmem>>, vector<16xf32>,
        tpu.vector_store %arg7[%parallel_loop3A_267, %parallel_loop3A_268, %parallel_loop3A_269], %parallel_loop3A_264 {strides = array<i32>} : memref<2x8x2048xf32, #tpu.memory_space<vmem>>, vector<16xf32>,
        %parallel_loop3A_271 = arith.constant 1 : i32
        %parallel_loop3A_272 = vector.broadcast %parallel_loop3A_271 : i32 to vector<16xi32>
        %parallel_loop3A_273 = arith.constant 0 : i32
        %parallel_loop3A_274 = arith.constant 0 : i32
        %parallel_loop3A_275 = arith.constant 0 : i32
        %parallel_loop3A_276 = tpu.memref_slice %arg6[%parallel_loop3A_273, %parallel_loop3A_274, %parallel_loop3A_275] : memref<2x8x4096xf32, #tpu.memory_space<vmem>> -> memref<1x8x4096xf32, #tpu.memory_space<vmem>>
        %parallel_loop3A_277 = tpu.memref_squeeze %parallel_loop3A_276 : memref<1x8x4096xf32, #tpu.memory_space<vmem>> -> memref<8x4096xf32, #tpu.memory_space<vmem>>
        %parallel_loop3A_278 = tpu.vector_load_idx %parallel_loop3A_277[%parallel_loop3A_272, %parallel_loop3A_256] : memref<8x4096xf32, #tpu.memory_space<vmem>>[vector<16xi32>, vector<16xi32>], vector<16xf32>,
        %parallel_loop3A_279 = arith.constant 0 : i32
        %parallel_loop3A_280 = arith.constant 1 : i32
        %parallel_loop3A_281 = arith.index_cast %parallel_loop3A_279 : i32 to index
        %parallel_loop3A_282 = arith.index_cast %parallel_loop3A_280 : i32 to index
        %parallel_loop3A_283 = arith.index_cast %parallel_loop3A_252 : i32 to index
        %parallel_loop3A_284 = tpu.vector_load %arg7[%parallel_loop3A_281, %parallel_loop3A_282, %parallel_loop3A_283] {strides = array<i32>} : memref<2x8x2048xf32, #tpu.memory_space<vmem>>, vector<16xf32>,
        tpu.vector_store %arg7[%parallel_loop3A_281, %parallel_loop3A_282, %parallel_loop3A_283], %parallel_loop3A_278 {strides = array<i32>} : memref<2x8x2048xf32, #tpu.memory_space<vmem>>, vector<16xf32>,
        %parallel_loop3A_285 = arith.constant 2 : i32
        %parallel_loop3A_286 = vector.broadcast %parallel_loop3A_285 : i32 to vector<16xi32>
        %parallel_loop3A_287 = arith.constant 0 : i32
        %parallel_loop3A_288 = arith.constant 0 : i32
        %parallel_loop3A_289 = arith.constant 0 : i32
        %parallel_loop3A_290 = tpu.memref_slice %arg6[%parallel_loop3A_287, %parallel_loop3A_288, %parallel_loop3A_289] : memref<2x8x4096xf32, #tpu.memory_space<vmem>> -> memref<1x8x4096xf32, #tpu.memory_space<vmem>>
        %parallel_loop3A_291 = tpu.memref_squeeze %parallel_loop3A_290 : memref<1x8x4096xf32, #tpu.memory_space<vmem>> -> memref<8x4096xf32, #tpu.memory_space<vmem>>
        %parallel_loop3A_292 = tpu.vector_load_idx %parallel_loop3A_291[%parallel_loop3A_286, %parallel_loop3A_256] : memref<8x4096xf32, #tpu.memory_space<vmem>>[vector<16xi32>, vector<16xi32>], vector<16xf32>,
        %parallel_loop3A_293 = arith.constant 0 : i32
        %parallel_loop3A_294 = arith.constant 2 : i32
        %parallel_loop3A_295 = arith.index_cast %parallel_loop3A_293 : i32 to index
        %parallel_loop3A_296 = arith.index_cast %parallel_loop3A_294 : i32 to index
        %parallel_loop3A_297 = arith.index_cast %parallel_loop3A_252 : i32 to index
        %parallel_loop3A_298 = tpu.vector_load %arg7[%parallel_loop3A_295, %parallel_loop3A_296, %parallel_loop3A_297] {strides = array<i32>} : memref<2x8x2048xf32, #tpu.memory_space<vmem>>, vector<16xf32>,
        tpu.vector_store %arg7[%parallel_loop3A_295, %parallel_loop3A_296, %parallel_loop3A_297], %parallel_loop3A_292 {strides = array<i32>} : memref<2x8x2048xf32, #tpu.memory_space<vmem>>, vector<16xf32>,
        %parallel_loop3A_299 = arith.constant 3 : i32
        %parallel_loop3A_300 = vector.broadcast %parallel_loop3A_299 : i32 to vector<16xi32>
        %parallel_loop3A_301 = arith.constant 0 : i32
        %parallel_loop3A_302 = arith.constant 0 : i32
        %parallel_loop3A_303 = arith.constant 0 : i32
        %parallel_loop3A_304 = tpu.memref_slice %arg6[%parallel_loop3A_301, %parallel_loop3A_302, %parallel_loop3A_303] : memref<2x8x4096xf32, #tpu.memory_space<vmem>> -> memref<1x8x4096xf32, #tpu.memory_space<vmem>>
        %parallel_loop3A_305 = tpu.memref_squeeze %parallel_loop3A_304 : memref<1x8x4096xf32, #tpu.memory_space<vmem>> -> memref<8x4096xf32, #tpu.memory_space<vmem>>
        %parallel_loop3A_306 = tpu.vector_load_idx %parallel_loop3A_305[%parallel_loop3A_300, %parallel_loop3A_256] : memref<8x4096xf32, #tpu.memory_space<vmem>>[vector<16xi32>, vector<16xi32>], vector<16xf32>,
        %parallel_loop3A_307 = arith.constant 0 : i32
        %parallel_loop3A_308 = arith.constant 3 : i32
        %parallel_loop3A_309 = arith.index_cast %parallel_loop3A_307 : i32 to index
        %parallel_loop3A_310 = arith.index_cast %parallel_loop3A_308 : i32 to index
        %parallel_loop3A_311 = arith.index_cast %parallel_loop3A_252 : i32 to index
        %parallel_loop3A_312 = tpu.vector_load %arg7[%parallel_loop3A_309, %parallel_loop3A_310, %parallel_loop3A_311] {strides = array<i32>} : memref<2x8x2048xf32, #tpu.memory_space<vmem>>, vector<16xf32>,
        tpu.vector_store %arg7[%parallel_loop3A_309, %parallel_loop3A_310, %parallel_loop3A_311], %parallel_loop3A_306 {strides = array<i32>} : memref<2x8x2048xf32, #tpu.memory_space<vmem>>, vector<16xf32>,
        %parallel_loop3A_313 = arith.constant 4 : i32
        %parallel_loop3A_314 = vector.broadcast %parallel_loop3A_313 : i32 to vector<16xi32>
        %parallel_loop3A_315 = arith.constant 0 : i32
        %parallel_loop3A_316 = arith.constant 0 : i32
        %parallel_loop3A_317 = arith.constant 0 : i32
        %parallel_loop3A_318 = tpu.memref_slice %arg6[%parallel_loop3A_315, %parallel_loop3A_316, %parallel_loop3A_317] : memref<2x8x4096xf32, #tpu.memory_space<vmem>> -> memref<1x8x4096xf32, #tpu.memory_space<vmem>>
        %parallel_loop3A_319 = tpu.memref_squeeze %parallel_loop3A_318 : memref<1x8x4096xf32, #tpu.memory_space<vmem>> -> memref<8x4096xf32, #tpu.memory_space<vmem>>
        %parallel_loop3A_320 = tpu.vector_load_idx %parallel_loop3A_319[%parallel_loop3A_314, %parallel_loop3A_256] : memref<8x4096xf32, #tpu.memory_space<vmem>>[vector<16xi32>, vector<16xi32>], vector<16xf32>,
        %parallel_loop3A_321 = arith.constant 0 : i32
        %parallel_loop3A_322 = arith.constant 4 : i32
        %parallel_loop3A_323 = arith.index_cast %parallel_loop3A_321 : i32 to index
        %parallel_loop3A_324 = arith.index_cast %parallel_loop3A_322 : i32 to index
        %parallel_loop3A_325 = arith.index_cast %parallel_loop3A_252 : i32 to index
        %parallel_loop3A_326 = tpu.vector_load %arg7[%parallel_loop3A_323, %parallel_loop3A_324, %parallel_loop3A_325] {strides = array<i32>} : memref<2x8x2048xf32, #tpu.memory_space<vmem>>, vector<16xf32>,
        tpu.vector_store %arg7[%parallel_loop3A_323, %parallel_loop3A_324, %parallel_loop3A_325], %parallel_loop3A_320 {strides = array<i32>} : memref<2x8x2048xf32, #tpu.memory_space<vmem>>, vector<16xf32>,
        %parallel_loop3A_327 = arith.constant 5 : i32
        %parallel_loop3A_328 = vector.broadcast %parallel_loop3A_327 : i32 to vector<16xi32>
        %parallel_loop3A_329 = arith.constant 0 : i32
        %parallel_loop3A_330 = arith.constant 0 : i32
        %parallel_loop3A_331 = arith.constant 0 : i32
        %parallel_loop3A_332 = tpu.memref_slice %arg6[%parallel_loop3A_329, %parallel_loop3A_330, %parallel_loop3A_331] : memref<2x8x4096xf32, #tpu.memory_space<vmem>> -> memref<1x8x4096xf32, #tpu.memory_space<vmem>>
        %parallel_loop3A_333 = tpu.memref_squeeze %parallel_loop3A_332 : memref<1x8x4096xf32, #tpu.memory_space<vmem>> -> memref<8x4096xf32, #tpu.memory_space<vmem>>
        %parallel_loop3A_334 = tpu.vector_load_idx %parallel_loop3A_333[%parallel_loop3A_328, %parallel_loop3A_256] : memref<8x4096xf32, #tpu.memory_space<vmem>>[vector<16xi32>, vector<16xi32>], vector<16xf32>,
        %parallel_loop3A_335 = arith.constant 0 : i32
        %parallel_loop3A_336 = arith.constant 5 : i32
        %parallel_loop3A_337 = arith.index_cast %parallel_loop3A_335 : i32 to index
        %parallel_loop3A_338 = arith.index_cast %parallel_loop3A_336 : i32 to index
        %parallel_loop3A_339 = arith.index_cast %parallel_loop3A_252 : i32 to index
        %parallel_loop3A_340 = tpu.vector_load %arg7[%parallel_loop3A_337, %parallel_loop3A_338, %parallel_loop3A_339] {strides = array<i32>} : memref<2x8x2048xf32, #tpu.memory_space<vmem>>, vector<16xf32>,
        tpu.vector_store %arg7[%parallel_loop3A_337, %parallel_loop3A_338, %parallel_loop3A_339], %parallel_loop3A_334 {strides = array<i32>} : memref<2x8x2048xf32, #tpu.memory_space<vmem>>, vector<16xf32>,
        %parallel_loop3A_341 = arith.constant 6 : i32
        %parallel_loop3A_342 = vector.broadcast %parallel_loop3A_341 : i32 to vector<16xi32>
        %parallel_loop3A_343 = arith.constant 0 : i32
        %parallel_loop3A_344 = arith.constant 0 : i32
        %parallel_loop3A_345 = arith.constant 0 : i32
        %parallel_loop3A_346 = tpu.memref_slice %arg6[%parallel_loop3A_343, %parallel_loop3A_344, %parallel_loop3A_345] : memref<2x8x4096xf32, #tpu.memory_space<vmem>> -> memref<1x8x4096xf32, #tpu.memory_space<vmem>>
        %parallel_loop3A_347 = tpu.memref_squeeze %parallel_loop3A_346 : memref<1x8x4096xf32, #tpu.memory_space<vmem>> -> memref<8x4096xf32, #tpu.memory_space<vmem>>
        %parallel_loop3A_348 = tpu.vector_load_idx %parallel_loop3A_347[%parallel_loop3A_342, %parallel_loop3A_256] : memref<8x4096xf32, #tpu.memory_space<vmem>>[vector<16xi32>, vector<16xi32>], vector<16xf32>,
        %parallel_loop3A_349 = arith.constant 0 : i32
        %parallel_loop3A_350 = arith.constant 6 : i32
        %parallel_loop3A_351 = arith.index_cast %parallel_loop3A_349 : i32 to index
        %parallel_loop3A_352 = arith.index_cast %parallel_loop3A_350 : i32 to index
        %parallel_loop3A_353 = arith.index_cast %parallel_loop3A_252 : i32 to index
        %parallel_loop3A_354 = tpu.vector_load %arg7[%parallel_loop3A_351, %parallel_loop3A_352, %parallel_loop3A_353] {strides = array<i32>} : memref<2x8x2048xf32, #tpu.memory_space<vmem>>, vector<16xf32>,
        tpu.vector_store %arg7[%parallel_loop3A_351, %parallel_loop3A_352, %parallel_loop3A_353], %parallel_loop3A_348 {strides = array<i32>} : memref<2x8x2048xf32, #tpu.memory_space<vmem>>, vector<16xf32>,
        %parallel_loop3A_355 = arith.constant 7 : i32
        %parallel_loop3A_356 = vector.broadcast %parallel_loop3A_355 : i32 to vector<16xi32>
        %parallel_loop3A_357 = arith.constant 0 : i32
        %parallel_loop3A_358 = arith.constant 0 : i32
        %parallel_loop3A_359 = arith.constant 0 : i32
        %parallel_loop3A_360 = tpu.memref_slice %arg6[%parallel_loop3A_357, %parallel_loop3A_358, %parallel_loop3A_359] : memref<2x8x4096xf32, #tpu.memory_space<vmem>> -> memref<1x8x4096xf32, #tpu.memory_space<vmem>>
        %parallel_loop3A_361 = tpu.memref_squeeze %parallel_loop3A_360 : memref<1x8x4096xf32, #tpu.memory_space<vmem>> -> memref<8x4096xf32, #tpu.memory_space<vmem>>
        %parallel_loop3A_362 = tpu.vector_load_idx %parallel_loop3A_361[%parallel_loop3A_356, %parallel_loop3A_256] : memref<8x4096xf32, #tpu.memory_space<vmem>>[vector<16xi32>, vector<16xi32>], vector<16xf32>,
        %parallel_loop3A_363 = arith.constant 0 : i32
        %parallel_loop3A_364 = arith.constant 7 : i32
        %parallel_loop3A_365 = arith.index_cast %parallel_loop3A_363 : i32 to index
        %parallel_loop3A_366 = arith.index_cast %parallel_loop3A_364 : i32 to index
        %parallel_loop3A_367 = arith.index_cast %parallel_loop3A_252 : i32 to index
        %parallel_loop3A_368 = tpu.vector_load %arg7[%parallel_loop3A_365, %parallel_loop3A_366, %parallel_loop3A_367] {strides = array<i32>} : memref<2x8x2048xf32, #tpu.memory_space<vmem>>, vector<16xf32>,
        tpu.vector_store %arg7[%parallel_loop3A_365, %parallel_loop3A_366, %parallel_loop3A_367], %parallel_loop3A_362 {strides = array<i32>} : memref<2x8x2048xf32, #tpu.memory_space<vmem>>, vector<16xf32>,
      } {sc.loop_unroll_factor = 4 : i64, sc.parallel_access}
      %add3A_115 = arith.addi %mul3A_2, %add3A_91 : i32
      %mul3A_116 = arith.constant 8 : i32
      %mul3A_117 = arith.muli %add3A_115, %mul3A_116 : i32
      %dma_start3A_118 = arith.constant 0 : i32
      %dma_start3A_119 = arith.constant 0 : i32
      %dma_start3A_120 = arith.constant 0 : i32
      %dma_start3A_121 = arith.constant 0 : i32
      %dma_start3A_122 = tpu.memref_slice %arg7[%dma_start3A_118, %dma_start3A_120, %dma_start3A_121] : memref<2x8x2048xf32, #tpu.memory_space<vmem>> -> memref<1x8x2048xf32, #tpu.memory_space<vmem>>
      %dma_start3A_123 = tpu.memref_squeeze %dma_start3A_122 : memref<1x8x2048xf32, #tpu.memory_space<vmem>> -> memref<8x2048xf32, #tpu.memory_space<vmem>>
      %dma_start3A_124 = arith.constant 0 : i32
      %dma_start3A_125 = tpu.memref_slice %arg4[%mul3A_117, %dma_start3A_124] : memref<16384x4096xf32, #tpu.memory_space<hbm>> -> memref<8x2048xf32, #tpu.memory_space<hbm>>
      %dma_start3A_126 = tpu.memref_slice %arg9[%dma_start3A_119] : memref<2x!tpu.dma_semaphore, #tpu.memory_space<semaphore_mem>> -> memref<1x!tpu.dma_semaphore, #tpu.memory_space<semaphore_mem>>
      %dma_start3A_127 = tpu.memref_squeeze %dma_start3A_126 : memref<1x!tpu.dma_semaphore, #tpu.memory_space<semaphore_mem>> -> memref<!tpu.dma_semaphore, #tpu.memory_space<semaphore_mem>>
      %dma_start3A_128 = arith.constant 0 : i32
      %dma_start3A_129 = tpu.memref_slice %arg4[%mul3A_117, %dma_start3A_128] : memref<16384x4096xf32, #tpu.memory_space<hbm>> -> memref<8x2048xf32, #tpu.memory_space<hbm>>
      %dma_start3A_130 = arith.constant 0 : i32
      %dma_start3A_131 = arith.constant 0 : i32
      %dma_start3A_132 = tpu.memref_slice %arg7[%dma_start3A_118, %dma_start3A_130, %dma_start3A_131] : memref<2x8x2048xf32, #tpu.memory_space<vmem>> -> memref<1x8x2048xf32, #tpu.memory_space<vmem>>
      %dma_start3A_133 = tpu.memref_squeeze %dma_start3A_132 : memref<1x8x2048xf32, #tpu.memory_space<vmem>> -> memref<8x2048xf32, #tpu.memory_space<vmem>>
      tpu.enqueue_dma source(%dma_start3A_133 : memref<8x2048xf32, #tpu.memory_space<vmem>>) target(%dma_start3A_129 : memref<8x2048xf32, #tpu.memory_space<hbm>>) target_semaphore(%dma_start3A_127 : memref<!tpu.dma_semaphore, #tpu.memory_space<semaphore_mem>>)
      %ge3A_134 = arith.constant 1 : i32
      %ge3A_135 = arith.cmpi sge, %add3A_91, %ge3A_134 : i32
      %convert_element_type3A_136 = arith.extui %ge3A_135 : i1 to i32
      %cond3A_137 = arith.constant 0 : i32
      %cond3A_138 = arith.cmpi ne, %convert_element_type3A_136, %cond3A_137 : i32
      scf.if %cond3A_138 {
        %sub3A = arith.constant 1 : i32
        %sub3A_249 = arith.subi %add3A_91, %sub3A : i32
        %add3A_250 = arith.addi %mul3A_2, %sub3A_249 : i32
        %mul3A_251 = arith.constant 8 : i32
        %mul3A_252 = arith.muli %add3A_250, %mul3A_251 : i32
        %dma_wait3A_253 = arith.constant 1 : i32
        %dma_wait3A_254 = arith.constant 1 : i32
        %dma_wait3A_255 = arith.constant 0 : i32
        %dma_wait3A_256 = arith.constant 0 : i32
        %dma_wait3A_257 = tpu.memref_slice %arg7[%dma_wait3A_253, %dma_wait3A_255, %dma_wait3A_256] : memref<2x8x2048xf32, #tpu.memory_space<vmem>> -> memref<1x8x2048xf32, #tpu.memory_space<vmem>>
        %dma_wait3A_258 = tpu.memref_squeeze %dma_wait3A_257 : memref<1x8x2048xf32, #tpu.memory_space<vmem>> -> memref<8x2048xf32, #tpu.memory_space<vmem>>
        %dma_wait3A_259 = arith.constant 2048 : i32
        %dma_wait3A_260 = tpu.memref_slice %arg4[%mul3A_252, %dma_wait3A_259] : memref<16384x4096xf32, #tpu.memory_space<hbm>> -> memref<8x2048xf32, #tpu.memory_space<hbm>>
        %dma_wait3A_261 = tpu.memref_slice %arg9[%dma_wait3A_254] : memref<2x!tpu.dma_semaphore, #tpu.memory_space<semaphore_mem>> -> memref<1x!tpu.dma_semaphore, #tpu.memory_space<semaphore_mem>>
        %dma_wait3A_262 = tpu.memref_squeeze %dma_wait3A_261 : memref<1x!tpu.dma_semaphore, #tpu.memory_space<semaphore_mem>> -> memref<!tpu.dma_semaphore, #tpu.memory_space<semaphore_mem>>
        %dma_wait3A_263 = arith.constant 2048 : i32
        %dma_wait3A_264 = tpu.memref_slice %arg4[%mul3A_252, %dma_wait3A_263] : memref<16384x4096xf32, #tpu.memory_space<hbm>> -> memref<8x2048xf32, #tpu.memory_space<hbm>>
        %dma_wait3A_265 = arith.constant 0 : i32
        %dma_wait3A_266 = arith.constant 0 : i32
        %dma_wait3A_267 = tpu.memref_slice %arg7[%dma_wait3A_253, %dma_wait3A_265, %dma_wait3A_266] : memref<2x8x2048xf32, #tpu.memory_space<vmem>> -> memref<1x8x2048xf32, #tpu.memory_space<vmem>>
        %dma_wait3A_268 = tpu.memref_squeeze %dma_wait3A_267 : memref<1x8x2048xf32, #tpu.memory_space<vmem>> -> memref<8x2048xf32, #tpu.memory_space<vmem>>
        tpu.wait_dma2 semaphore(%dma_wait3A_262 : memref<!tpu.dma_semaphore, #tpu.memory_space<semaphore_mem>>) src(%dma_wait3A_268 : memref<8x2048xf32, #tpu.memory_space<vmem>>) dst(%dma_wait3A_264 : memref<8x2048xf32, #tpu.memory_space<hbm>>)
      } else {
      }
      %parallel_loop3A_139 = arith.constant 0 : i32
      %parallel_loop3A_140 = arith.constant 128 : i32
      %parallel_loop3A_141 = arith.constant 1 : i32
      scf.for %parallel_loop3A_249 = %parallel_loop3A_139 to %parallel_loop3A_140 step %parallel_loop3A_141  : i32 {
        %parallel_loop3A_250 = arith.constant 16 : i32
        %parallel_loop3A_251 = arith.muli %parallel_loop3A_249, %parallel_loop3A_250 : i32
        %parallel_loop3A_252 = tpu.assume_multiple %parallel_loop3A_251, 16 : i32
        %parallel_loop3A_253 = arith.constant 2048 : i32
        %parallel_loop3A_254 = arith.addi %parallel_loop3A_253, %parallel_loop3A_252 : i32
        %parallel_loop3A_255 = arith.index_cast %parallel_loop3A_254 : i32 to index
        %parallel_loop3A_256 = tpu.vector_load %arg5[%parallel_loop3A_255] {strides = array<i32>} : memref<4096xi32, #tpu.memory_space<vmem>>, vector<16xi32>,
        %parallel_loop3A_257 = arith.constant 0 : i32
        %parallel_loop3A_258 = vector.broadcast %parallel_loop3A_257 : i32 to vector<16xi32>
        %parallel_loop3A_259 = arith.constant 0 : i32
        %parallel_loop3A_260 = arith.constant 0 : i32
        %parallel_loop3A_261 = arith.constant 0 : i32
        %parallel_loop3A_262 = tpu.memref_slice %arg6[%parallel_loop3A_259, %parallel_loop3A_260, %parallel_loop3A_261] : memref<2x8x4096xf32, #tpu.memory_space<vmem>> -> memref<1x8x4096xf32, #tpu.memory_space<vmem>>
        %parallel_loop3A_263 = tpu.memref_squeeze %parallel_loop3A_262 : memref<1x8x4096xf32, #tpu.memory_space<vmem>> -> memref<8x4096xf32, #tpu.memory_space<vmem>>
        %parallel_loop3A_264 = tpu.vector_load_idx %parallel_loop3A_263[%parallel_loop3A_258, %parallel_loop3A_256] : memref<8x4096xf32, #tpu.memory_space<vmem>>[vector<16xi32>, vector<16xi32>], vector<16xf32>,
        %parallel_loop3A_265 = arith.constant 1 : i32
        %parallel_loop3A_266 = arith.constant 0 : i32
        %parallel_loop3A_267 = arith.index_cast %parallel_loop3A_265 : i32 to index
        %parallel_loop3A_268 = arith.index_cast %parallel_loop3A_266 : i32 to index
        %parallel_loop3A_269 = arith.index_cast %parallel_loop3A_252 : i32 to index
        %parallel_loop3A_270 = tpu.vector_load %arg7[%parallel_loop3A_267, %parallel_loop3A_268, %parallel_loop3A_269] {strides = array<i32>} : memref<2x8x2048xf32, #tpu.memory_space<vmem>>, vector<16xf32>,
        tpu.vector_store %arg7[%parallel_loop3A_267, %parallel_loop3A_268, %parallel_loop3A_269], %parallel_loop3A_264 {strides = array<i32>} : memref<2x8x2048xf32, #tpu.memory_space<vmem>>, vector<16xf32>,
        %parallel_loop3A_271 = arith.constant 1 : i32
        %parallel_loop3A_272 = vector.broadcast %parallel_loop3A_271 : i32 to vector<16xi32>
        %parallel_loop3A_273 = arith.constant 0 : i32
        %parallel_loop3A_274 = arith.constant 0 : i32
        %parallel_loop3A_275 = arith.constant 0 : i32
        %parallel_loop3A_276 = tpu.memref_slice %arg6[%parallel_loop3A_273, %parallel_loop3A_274, %parallel_loop3A_275] : memref<2x8x4096xf32, #tpu.memory_space<vmem>> -> memref<1x8x4096xf32, #tpu.memory_space<vmem>>
        %parallel_loop3A_277 = tpu.memref_squeeze %parallel_loop3A_276 : memref<1x8x4096xf32, #tpu.memory_space<vmem>> -> memref<8x4096xf32, #tpu.memory_space<vmem>>
        %parallel_loop3A_278 = tpu.vector_load_idx %parallel_loop3A_277[%parallel_loop3A_272, %parallel_loop3A_256] : memref<8x4096xf32, #tpu.memory_space<vmem>>[vector<16xi32>, vector<16xi32>], vector<16xf32>,
        %parallel_loop3A_279 = arith.constant 1 : i32
        %parallel_loop3A_280 = arith.constant 1 : i32
        %parallel_loop3A_281 = arith.index_cast %parallel_loop3A_279 : i32 to index
        %parallel_loop3A_282 = arith.index_cast %parallel_loop3A_280 : i32 to index
        %parallel_loop3A_283 = arith.index_cast %parallel_loop3A_252 : i32 to index
        %parallel_loop3A_284 = tpu.vector_load %arg7[%parallel_loop3A_281, %parallel_loop3A_282, %parallel_loop3A_283] {strides = array<i32>} : memref<2x8x2048xf32, #tpu.memory_space<vmem>>, vector<16xf32>,
        tpu.vector_store %arg7[%parallel_loop3A_281, %parallel_loop3A_282, %parallel_loop3A_283], %parallel_loop3A_278 {strides = array<i32>} : memref<2x8x2048xf32, #tpu.memory_space<vmem>>, vector<16xf32>,
        %parallel_loop3A_285 = arith.constant 2 : i32
        %parallel_loop3A_286 = vector.broadcast %parallel_loop3A_285 : i32 to vector<16xi32>
        %parallel_loop3A_287 = arith.constant 0 : i32
        %parallel_loop3A_288 = arith.constant 0 : i32
        %parallel_loop3A_289 = arith.constant 0 : i32
        %parallel_loop3A_290 = tpu.memref_slice %arg6[%parallel_loop3A_287, %parallel_loop3A_288, %parallel_loop3A_289] : memref<2x8x4096xf32, #tpu.memory_space<vmem>> -> memref<1x8x4096xf32, #tpu.memory_space<vmem>>
        %parallel_loop3A_291 = tpu.memref_squeeze %parallel_loop3A_290 : memref<1x8x4096xf32, #tpu.memory_space<vmem>> -> memref<8x4096xf32, #tpu.memory_space<vmem>>
        %parallel_loop3A_292 = tpu.vector_load_idx %parallel_loop3A_291[%parallel_loop3A_286, %parallel_loop3A_256] : memref<8x4096xf32, #tpu.memory_space<vmem>>[vector<16xi32>, vector<16xi32>], vector<16xf32>,
        %parallel_loop3A_293 = arith.constant 1 : i32
        %parallel_loop3A_294 = arith.constant 2 : i32
        %parallel_loop3A_295 = arith.index_cast %parallel_loop3A_293 : i32 to index
        %parallel_loop3A_296 = arith.index_cast %parallel_loop3A_294 : i32 to index
        %parallel_loop3A_297 = arith.index_cast %parallel_loop3A_252 : i32 to index
        %parallel_loop3A_298 = tpu.vector_load %arg7[%parallel_loop3A_295, %parallel_loop3A_296, %parallel_loop3A_297] {strides = array<i32>} : memref<2x8x2048xf32, #tpu.memory_space<vmem>>, vector<16xf32>,
        tpu.vector_store %arg7[%parallel_loop3A_295, %parallel_loop3A_296, %parallel_loop3A_297], %parallel_loop3A_292 {strides = array<i32>} : memref<2x8x2048xf32, #tpu.memory_space<vmem>>, vector<16xf32>,
        %parallel_loop3A_299 = arith.constant 3 : i32
        %parallel_loop3A_300 = vector.broadcast %parallel_loop3A_299 : i32 to vector<16xi32>
        %parallel_loop3A_301 = arith.constant 0 : i32
        %parallel_loop3A_302 = arith.constant 0 : i32
        %parallel_loop3A_303 = arith.constant 0 : i32
        %parallel_loop3A_304 = tpu.memref_slice %arg6[%parallel_loop3A_301, %parallel_loop3A_302, %parallel_loop3A_303] : memref<2x8x4096xf32, #tpu.memory_space<vmem>> -> memref<1x8x4096xf32, #tpu.memory_space<vmem>>
        %parallel_loop3A_305 = tpu.memref_squeeze %parallel_loop3A_304 : memref<1x8x4096xf32, #tpu.memory_space<vmem>> -> memref<8x4096xf32, #tpu.memory_space<vmem>>
        %parallel_loop3A_306 = tpu.vector_load_idx %parallel_loop3A_305[%parallel_loop3A_300, %parallel_loop3A_256] : memref<8x4096xf32, #tpu.memory_space<vmem>>[vector<16xi32>, vector<16xi32>], vector<16xf32>,
        %parallel_loop3A_307 = arith.constant 1 : i32
        %parallel_loop3A_308 = arith.constant 3 : i32
        %parallel_loop3A_309 = arith.index_cast %parallel_loop3A_307 : i32 to index
        %parallel_loop3A_310 = arith.index_cast %parallel_loop3A_308 : i32 to index
        %parallel_loop3A_311 = arith.index_cast %parallel_loop3A_252 : i32 to index
        %parallel_loop3A_312 = tpu.vector_load %arg7[%parallel_loop3A_309, %parallel_loop3A_310, %parallel_loop3A_311] {strides = array<i32>} : memref<2x8x2048xf32, #tpu.memory_space<vmem>>, vector<16xf32>,
        tpu.vector_store %arg7[%parallel_loop3A_309, %parallel_loop3A_310, %parallel_loop3A_311], %parallel_loop3A_306 {strides = array<i32>} : memref<2x8x2048xf32, #tpu.memory_space<vmem>>, vector<16xf32>,
        %parallel_loop3A_313 = arith.constant 4 : i32
        %parallel_loop3A_314 = vector.broadcast %parallel_loop3A_313 : i32 to vector<16xi32>
        %parallel_loop3A_315 = arith.constant 0 : i32
        %parallel_loop3A_316 = arith.constant 0 : i32
        %parallel_loop3A_317 = arith.constant 0 : i32
        %parallel_loop3A_318 = tpu.memref_slice %arg6[%parallel_loop3A_315, %parallel_loop3A_316, %parallel_loop3A_317] : memref<2x8x4096xf32, #tpu.memory_space<vmem>> -> memref<1x8x4096xf32, #tpu.memory_space<vmem>>
        %parallel_loop3A_319 = tpu.memref_squeeze %parallel_loop3A_318 : memref<1x8x4096xf32, #tpu.memory_space<vmem>> -> memref<8x4096xf32, #tpu.memory_space<vmem>>
        %parallel_loop3A_320 = tpu.vector_load_idx %parallel_loop3A_319[%parallel_loop3A_314, %parallel_loop3A_256] : memref<8x4096xf32, #tpu.memory_space<vmem>>[vector<16xi32>, vector<16xi32>], vector<16xf32>,
        %parallel_loop3A_321 = arith.constant 1 : i32
        %parallel_loop3A_322 = arith.constant 4 : i32
        %parallel_loop3A_323 = arith.index_cast %parallel_loop3A_321 : i32 to index
        %parallel_loop3A_324 = arith.index_cast %parallel_loop3A_322 : i32 to index
        %parallel_loop3A_325 = arith.index_cast %parallel_loop3A_252 : i32 to index
        %parallel_loop3A_326 = tpu.vector_load %arg7[%parallel_loop3A_323, %parallel_loop3A_324, %parallel_loop3A_325] {strides = array<i32>} : memref<2x8x2048xf32, #tpu.memory_space<vmem>>, vector<16xf32>,
        tpu.vector_store %arg7[%parallel_loop3A_323, %parallel_loop3A_324, %parallel_loop3A_325], %parallel_loop3A_320 {strides = array<i32>} : memref<2x8x2048xf32, #tpu.memory_space<vmem>>, vector<16xf32>,
        %parallel_loop3A_327 = arith.constant 5 : i32
        %parallel_loop3A_328 = vector.broadcast %parallel_loop3A_327 : i32 to vector<16xi32>
        %parallel_loop3A_329 = arith.constant 0 : i32
        %parallel_loop3A_330 = arith.constant 0 : i32
        %parallel_loop3A_331 = arith.constant 0 : i32
        %parallel_loop3A_332 = tpu.memref_slice %arg6[%parallel_loop3A_329, %parallel_loop3A_330, %parallel_loop3A_331] : memref<2x8x4096xf32, #tpu.memory_space<vmem>> -> memref<1x8x4096xf32, #tpu.memory_space<vmem>>
        %parallel_loop3A_333 = tpu.memref_squeeze %parallel_loop3A_332 : memref<1x8x4096xf32, #tpu.memory_space<vmem>> -> memref<8x4096xf32, #tpu.memory_space<vmem>>
        %parallel_loop3A_334 = tpu.vector_load_idx %parallel_loop3A_333[%parallel_loop3A_328, %parallel_loop3A_256] : memref<8x4096xf32, #tpu.memory_space<vmem>>[vector<16xi32>, vector<16xi32>], vector<16xf32>,
        %parallel_loop3A_335 = arith.constant 1 : i32
        %parallel_loop3A_336 = arith.constant 5 : i32
        %parallel_loop3A_337 = arith.index_cast %parallel_loop3A_335 : i32 to index
        %parallel_loop3A_338 = arith.index_cast %parallel_loop3A_336 : i32 to index
        %parallel_loop3A_339 = arith.index_cast %parallel_loop3A_252 : i32 to index
        %parallel_loop3A_340 = tpu.vector_load %arg7[%parallel_loop3A_337, %parallel_loop3A_338, %parallel_loop3A_339] {strides = array<i32>} : memref<2x8x2048xf32, #tpu.memory_space<vmem>>, vector<16xf32>,
        tpu.vector_store %arg7[%parallel_loop3A_337, %parallel_loop3A_338, %parallel_loop3A_339], %parallel_loop3A_334 {strides = array<i32>} : memref<2x8x2048xf32, #tpu.memory_space<vmem>>, vector<16xf32>,
        %parallel_loop3A_341 = arith.constant 6 : i32
        %parallel_loop3A_342 = vector.broadcast %parallel_loop3A_341 : i32 to vector<16xi32>
        %parallel_loop3A_343 = arith.constant 0 : i32
        %parallel_loop3A_344 = arith.constant 0 : i32
        %parallel_loop3A_345 = arith.constant 0 : i32
        %parallel_loop3A_346 = tpu.memref_slice %arg6[%parallel_loop3A_343, %parallel_loop3A_344, %parallel_loop3A_345] : memref<2x8x4096xf32, #tpu.memory_space<vmem>> -> memref<1x8x4096xf32, #tpu.memory_space<vmem>>
        %parallel_loop3A_347 = tpu.memref_squeeze %parallel_loop3A_346 : memref<1x8x4096xf32, #tpu.memory_space<vmem>> -> memref<8x4096xf32, #tpu.memory_space<vmem>>
        %parallel_loop3A_348 = tpu.vector_load_idx %parallel_loop3A_347[%parallel_loop3A_342, %parallel_loop3A_256] : memref<8x4096xf32, #tpu.memory_space<vmem>>[vector<16xi32>, vector<16xi32>], vector<16xf32>,
        %parallel_loop3A_349 = arith.constant 1 : i32
        %parallel_loop3A_350 = arith.constant 6 : i32
        %parallel_loop3A_351 = arith.index_cast %parallel_loop3A_349 : i32 to index
        %parallel_loop3A_352 = arith.index_cast %parallel_loop3A_350 : i32 to index
        %parallel_loop3A_353 = arith.index_cast %parallel_loop3A_252 : i32 to index
        %parallel_loop3A_354 = tpu.vector_load %arg7[%parallel_loop3A_351, %parallel_loop3A_352, %parallel_loop3A_353] {strides = array<i32>} : memref<2x8x2048xf32, #tpu.memory_space<vmem>>, vector<16xf32>,
        tpu.vector_store %arg7[%parallel_loop3A_351, %parallel_loop3A_352, %parallel_loop3A_353], %parallel_loop3A_348 {strides = array<i32>} : memref<2x8x2048xf32, #tpu.memory_space<vmem>>, vector<16xf32>,
        %parallel_loop3A_355 = arith.constant 7 : i32
        %parallel_loop3A_356 = vector.broadcast %parallel_loop3A_355 : i32 to vector<16xi32>
        %parallel_loop3A_357 = arith.constant 0 : i32
        %parallel_loop3A_358 = arith.constant 0 : i32
        %parallel_loop3A_359 = arith.constant 0 : i32
        %parallel_loop3A_360 = tpu.memref_slice %arg6[%parallel_loop3A_357, %parallel_loop3A_358, %parallel_loop3A_359] : memref<2x8x4096xf32, #tpu.memory_space<vmem>> -> memref<1x8x4096xf32, #tpu.memory_space<vmem>>
        %parallel_loop3A_361 = tpu.memref_squeeze %parallel_loop3A_360 : memref<1x8x4096xf32, #tpu.memory_space<vmem>> -> memref<8x4096xf32, #tpu.memory_space<vmem>>
        %parallel_loop3A_362 = tpu.vector_load_idx %parallel_loop3A_361[%parallel_loop3A_356, %parallel_loop3A_256] : memref<8x4096xf32, #tpu.memory_space<vmem>>[vector<16xi32>, vector<16xi32>], vector<16xf32>,
        %parallel_loop3A_363 = arith.constant 1 : i32
        %parallel_loop3A_364 = arith.constant 7 : i32
        %parallel_loop3A_365 = arith.index_cast %parallel_loop3A_363 : i32 to index
        %parallel_loop3A_366 = arith.index_cast %parallel_loop3A_364 : i32 to index
        %parallel_loop3A_367 = arith.index_cast %parallel_loop3A_252 : i32 to index
        %parallel_loop3A_368 = tpu.vector_load %arg7[%parallel_loop3A_365, %parallel_loop3A_366, %parallel_loop3A_367] {strides = array<i32>} : memref<2x8x2048xf32, #tpu.memory_space<vmem>>, vector<16xf32>,
        tpu.vector_store %arg7[%parallel_loop3A_365, %parallel_loop3A_366, %parallel_loop3A_367], %parallel_loop3A_362 {strides = array<i32>} : memref<2x8x2048xf32, #tpu.memory_space<vmem>>, vector<16xf32>,
      } {sc.loop_unroll_factor = 4 : i64, sc.parallel_access}
      %add3A_142 = arith.addi %mul3A_2, %add3A_91 : i32
      %mul3A_143 = arith.constant 8 : i32
      %mul3A_144 = arith.muli %add3A_142, %mul3A_143 : i32
      %dma_start3A_145 = arith.constant 1 : i32
      %dma_start3A_146 = arith.constant 1 : i32
      %dma_start3A_147 = arith.constant 0 : i32
      %dma_start3A_148 = arith.constant 0 : i32
      %dma_start3A_149 = tpu.memref_slice %arg7[%dma_start3A_145, %dma_start3A_147, %dma_start3A_148] : memref<2x8x2048xf32, #tpu.memory_space<vmem>> -> memref<1x8x2048xf32, #tpu.memory_space<vmem>>
      %dma_start3A_150 = tpu.memref_squeeze %dma_start3A_149 : memref<1x8x2048xf32, #tpu.memory_space<vmem>> -> memref<8x2048xf32, #tpu.memory_space<vmem>>
      %dma_start3A_151 = arith.constant 2048 : i32
      %dma_start3A_152 = tpu.memref_slice %arg4[%mul3A_144, %dma_start3A_151] : memref<16384x4096xf32, #tpu.memory_space<hbm>> -> memref<8x2048xf32, #tpu.memory_space<hbm>>
      %dma_start3A_153 = tpu.memref_slice %arg9[%dma_start3A_146] : memref<2x!tpu.dma_semaphore, #tpu.memory_space<semaphore_mem>> -> memref<1x!tpu.dma_semaphore, #tpu.memory_space<semaphore_mem>>
      %dma_start3A_154 = tpu.memref_squeeze %dma_start3A_153 : memref<1x!tpu.dma_semaphore, #tpu.memory_space<semaphore_mem>> -> memref<!tpu.dma_semaphore, #tpu.memory_space<semaphore_mem>>
      %dma_start3A_155 = arith.constant 2048 : i32
      %dma_start3A_156 = tpu.memref_slice %arg4[%mul3A_144, %dma_start3A_155] : memref<16384x4096xf32, #tpu.memory_space<hbm>> -> memref<8x2048xf32, #tpu.memory_space<hbm>>
      %dma_start3A_157 = arith.constant 0 : i32
      %dma_start3A_158 = arith.constant 0 : i32
      %dma_start3A_159 = tpu.memref_slice %arg7[%dma_start3A_145, %dma_start3A_157, %dma_start3A_158] : memref<2x8x2048xf32, #tpu.memory_space<vmem>> -> memref<1x8x2048xf32, #tpu.memory_space<vmem>>
      %dma_start3A_160 = tpu.memref_squeeze %dma_start3A_159 : memref<1x8x2048xf32, #tpu.memory_space<vmem>> -> memref<8x2048xf32, #tpu.memory_space<vmem>>
      tpu.enqueue_dma source(%dma_start3A_160 : memref<8x2048xf32, #tpu.memory_space<vmem>>) target(%dma_start3A_156 : memref<8x2048xf32, #tpu.memory_space<hbm>>) target_semaphore(%dma_start3A_154 : memref<!tpu.dma_semaphore, #tpu.memory_space<semaphore_mem>>)
      %add3A_161 = arith.constant 2 : i32
      %add3A_162 = arith.addi %add3A_91, %add3A_161 : i32
      %lt3A = arith.constant 64 : i32
      %lt3A_163 = arith.cmpi slt, %add3A_162, %lt3A : i32
      %convert_element_type3A_164 = arith.extui %lt3A_163 : i1 to i32
      %cond3A_165 = arith.constant 0 : i32
      %cond3A_166 = arith.cmpi ne, %convert_element_type3A_164, %cond3A_165 : i32
      scf.if %cond3A_166 {
        %add3A_249 = arith.constant 2 : i32
        %add3A_250 = arith.addi %add3A_91, %add3A_249 : i32
        %add3A_251 = arith.addi %mul3A_2, %add3A_250 : i32
        %mul3A_252 = arith.constant 8 : i32
        %mul3A_253 = arith.muli %add3A_251, %mul3A_252 : i32
        %dma_start3A_254 = arith.constant 0 : i32
        %dma_start3A_255 = arith.constant 0 : i32
        %dma_start3A_256 = arith.constant 0 : i32
        %dma_start3A_257 = arith.constant 0 : i32
        %dma_start3A_258 = tpu.memref_slice %arg6[%dma_start3A_254, %dma_start3A_256, %dma_start3A_257] : memref<2x8x4096xf32, #tpu.memory_space<vmem>> -> memref<1x8x4096xf32, #tpu.memory_space<vmem>>
        %dma_start3A_259 = tpu.memref_squeeze %dma_start3A_258 : memref<1x8x4096xf32, #tpu.memory_space<vmem>> -> memref<8x4096xf32, #tpu.memory_space<vmem>>
        %dma_start3A_260 = arith.constant 0 : i32
        %dma_start3A_261 = tpu.memref_slice %arg2[%mul3A_253, %dma_start3A_260] : memref<16384x4096xf32, #tpu.memory_space<hbm>> -> memref<8x4096xf32, #tpu.memory_space<hbm>>
        %dma_start3A_262 = tpu.memref_slice %arg8[%dma_start3A_255] : memref<2x!tpu.dma_semaphore, #tpu.memory_space<semaphore_mem>> -> memref<1x!tpu.dma_semaphore, #tpu.memory_space<semaphore_mem>>
        %dma_start3A_263 = tpu.memref_squeeze %dma_start3A_262 : memref<1x!tpu.dma_semaphore, #tpu.memory_space<semaphore_mem>> -> memref<!tpu.dma_semaphore, #tpu.memory_space<semaphore_mem>>
        %dma_start3A_264 = arith.constant 0 : i32
        %dma_start3A_265 = arith.constant 0 : i32
        %dma_start3A_266 = tpu.memref_slice %arg6[%dma_start3A_254, %dma_start3A_264, %dma_start3A_265] : memref<2x8x4096xf32, #tpu.memory_space<vmem>> -> memref<1x8x4096xf32, #tpu.memory_space<vmem>>
        %dma_start3A_267 = tpu.memref_squeeze %dma_start3A_266 : memref<1x8x4096xf32, #tpu.memory_space<vmem>> -> memref<8x4096xf32, #tpu.memory_space<vmem>>
        %dma_start3A_268 = arith.constant 0 : i32
        %dma_start3A_269 = tpu.memref_slice %arg2[%mul3A_253, %dma_start3A_268] : memref<16384x4096xf32, #tpu.memory_space<hbm>> -> memref<8x4096xf32, #tpu.memory_space<hbm>>
        tpu.enqueue_dma source(%dma_start3A_269 : memref<8x4096xf32, #tpu.memory_space<hbm>>) target(%dma_start3A_267 : memref<8x4096xf32, #tpu.memory_space<vmem>>) target_semaphore(%dma_start3A_263 : memref<!tpu.dma_semaphore, #tpu.memory_space<semaphore_mem>>)
      } else {
      }
      %add3A_167 = arith.constant 1 : i32
      %add3A_168 = arith.addi %add3A_89, %add3A_167 : i32
      %add3A_169 = arith.addi %mul3A_2, %add3A_168 : i32
      %mul3A_170 = arith.constant 8 : i32
      %mul3A_171 = arith.muli %add3A_169, %mul3A_170 : i32
      %dma_wait3A_172 = arith.constant 1 : i32
      %dma_wait3A_173 = arith.constant 1 : i32
      %dma_wait3A_174 = arith.constant 0 : i32
      %dma_wait3A_175 = arith.constant 0 : i32
      %dma_wait3A_176 = tpu.memref_slice %arg6[%dma_wait3A_172, %dma_wait3A_174, %dma_wait3A_175] : memref<2x8x4096xf32, #tpu.memory_space<vmem>> -> memref<1x8x4096xf32, #tpu.memory_space<vmem>>
      %dma_wait3A_177 = tpu.memref_squeeze %dma_wait3A_176 : memref<1x8x4096xf32, #tpu.memory_space<vmem>> -> memref<8x4096xf32, #tpu.memory_space<vmem>>
      %dma_wait3A_178 = arith.constant 0 : i32
      %dma_wait3A_179 = tpu.memref_slice %arg2[%mul3A_171, %dma_wait3A_178] : memref<16384x4096xf32, #tpu.memory_space<hbm>> -> memref<8x4096xf32, #tpu.memory_space<hbm>>
      %dma_wait3A_180 = tpu.memref_slice %arg8[%dma_wait3A_173] : memref<2x!tpu.dma_semaphore, #tpu.memory_space<semaphore_mem>> -> memref<1x!tpu.dma_semaphore, #tpu.memory_space<semaphore_mem>>
      %dma_wait3A_181 = tpu.memref_squeeze %dma_wait3A_180 : memref<1x!tpu.dma_semaphore, #tpu.memory_space<semaphore_mem>> -> memref<!tpu.dma_semaphore, #tpu.memory_space<semaphore_mem>>
      %dma_wait3A_182 = arith.constant 0 : i32
      %dma_wait3A_183 = arith.constant 0 : i32
      %dma_wait3A_184 = tpu.memref_slice %arg6[%dma_wait3A_172, %dma_wait3A_182, %dma_wait3A_183] : memref<2x8x4096xf32, #tpu.memory_space<vmem>> -> memref<1x8x4096xf32, #tpu.memory_space<vmem>>
      %dma_wait3A_185 = tpu.memref_squeeze %dma_wait3A_184 : memref<1x8x4096xf32, #tpu.memory_space<vmem>> -> memref<8x4096xf32, #tpu.memory_space<vmem>>
      %dma_wait3A_186 = arith.constant 0 : i32
      %dma_wait3A_187 = tpu.memref_slice %arg2[%mul3A_171, %dma_wait3A_186] : memref<16384x4096xf32, #tpu.memory_space<hbm>> -> memref<8x4096xf32, #tpu.memory_space<hbm>>
      tpu.wait_dma2 semaphore(%dma_wait3A_181 : memref<!tpu.dma_semaphore, #tpu.memory_space<semaphore_mem>>) src(%dma_wait3A_187 : memref<8x4096xf32, #tpu.memory_space<hbm>>) dst(%dma_wait3A_185 : memref<8x4096xf32, #tpu.memory_space<vmem>>)
      %ge3A_188 = arith.constant 1 : i32
      %ge3A_189 = arith.cmpi sge, %add3A_168, %ge3A_188 : i32
      %convert_element_type3A_190 = arith.extui %ge3A_189 : i1 to i32
      %cond3A_191 = arith.constant 0 : i32
      %cond3A_192 = arith.cmpi ne, %convert_element_type3A_190, %cond3A_191 : i32
      scf.if %cond3A_192 {
        %sub3A = arith.constant 1 : i32
        %sub3A_249 = arith.subi %add3A_168, %sub3A : i32
        %add3A_250 = arith.addi %mul3A_2, %sub3A_249 : i32
        %mul3A_251 = arith.constant 8 : i32
        %mul3A_252 = arith.muli %add3A_250, %mul3A_251 : i32
        %dma_wait3A_253 = arith.constant 0 : i32
        %dma_wait3A_254 = arith.constant 0 : i32
        %dma_wait3A_255 = arith.constant 0 : i32
        %dma_wait3A_256 = arith.constant 0 : i32
        %dma_wait3A_257 = tpu.memref_slice %arg7[%dma_wait3A_253, %dma_wait3A_255, %dma_wait3A_256] : memref<2x8x2048xf32, #tpu.memory_space<vmem>> -> memref<1x8x2048xf32, #tpu.memory_space<vmem>>
        %dma_wait3A_258 = tpu.memref_squeeze %dma_wait3A_257 : memref<1x8x2048xf32, #tpu.memory_space<vmem>> -> memref<8x2048xf32, #tpu.memory_space<vmem>>
        %dma_wait3A_259 = arith.constant 0 : i32
        %dma_wait3A_260 = tpu.memref_slice %arg4[%mul3A_252, %dma_wait3A_259] : memref<16384x4096xf32, #tpu.memory_space<hbm>> -> memref<8x2048xf32, #tpu.memory_space<hbm>>
        %dma_wait3A_261 = tpu.memref_slice %arg9[%dma_wait3A_254] : memref<2x!tpu.dma_semaphore, #tpu.memory_space<semaphore_mem>> -> memref<1x!tpu.dma_semaphore, #tpu.memory_space<semaphore_mem>>
        %dma_wait3A_262 = tpu.memref_squeeze %dma_wait3A_261 : memref<1x!tpu.dma_semaphore, #tpu.memory_space<semaphore_mem>> -> memref<!tpu.dma_semaphore, #tpu.memory_space<semaphore_mem>>
        %dma_wait3A_263 = arith.constant 0 : i32
        %dma_wait3A_264 = tpu.memref_slice %arg4[%mul3A_252, %dma_wait3A_263] : memref<16384x4096xf32, #tpu.memory_space<hbm>> -> memref<8x2048xf32, #tpu.memory_space<hbm>>
        %dma_wait3A_265 = arith.constant 0 : i32
        %dma_wait3A_266 = arith.constant 0 : i32
        %dma_wait3A_267 = tpu.memref_slice %arg7[%dma_wait3A_253, %dma_wait3A_265, %dma_wait3A_266] : memref<2x8x2048xf32, #tpu.memory_space<vmem>> -> memref<1x8x2048xf32, #tpu.memory_space<vmem>>
        %dma_wait3A_268 = tpu.memref_squeeze %dma_wait3A_267 : memref<1x8x2048xf32, #tpu.memory_space<vmem>> -> memref<8x2048xf32, #tpu.memory_space<vmem>>
        tpu.wait_dma2 semaphore(%dma_wait3A_262 : memref<!tpu.dma_semaphore, #tpu.memory_space<semaphore_mem>>) src(%dma_wait3A_268 : memref<8x2048xf32, #tpu.memory_space<vmem>>) dst(%dma_wait3A_264 : memref<8x2048xf32, #tpu.memory_space<hbm>>)
      } else {
      }
      %parallel_loop3A_193 = arith.constant 0 : i32
      %parallel_loop3A_194 = arith.constant 128 : i32
      %parallel_loop3A_195 = arith.constant 1 : i32
      scf.for %parallel_loop3A_249 = %parallel_loop3A_193 to %parallel_loop3A_194 step %parallel_loop3A_195  : i32 {
        %parallel_loop3A_250 = arith.constant 16 : i32
        %parallel_loop3A_251 = arith.muli %parallel_loop3A_249, %parallel_loop3A_250 : i32
        %parallel_loop3A_252 = tpu.assume_multiple %parallel_loop3A_251, 16 : i32
        %parallel_loop3A_253 = arith.constant 0 : i32
        %parallel_loop3A_254 = arith.addi %parallel_loop3A_253, %parallel_loop3A_252 : i32
        %parallel_loop3A_255 = arith.index_cast %parallel_loop3A_254 : i32 to index
        %parallel_loop3A_256 = tpu.vector_load %arg5[%parallel_loop3A_255] {strides = array<i32>} : memref<4096xi32, #tpu.memory_space<vmem>>, vector<16xi32>,
        %parallel_loop3A_257 = arith.constant 0 : i32
        %parallel_loop3A_258 = vector.broadcast %parallel_loop3A_257 : i32 to vector<16xi32>
        %parallel_loop3A_259 = arith.constant 1 : i32
        %parallel_loop3A_260 = arith.constant 0 : i32
        %parallel_loop3A_261 = arith.constant 0 : i32
        %parallel_loop3A_262 = tpu.memref_slice %arg6[%parallel_loop3A_259, %parallel_loop3A_260, %parallel_loop3A_261] : memref<2x8x4096xf32, #tpu.memory_space<vmem>> -> memref<1x8x4096xf32, #tpu.memory_space<vmem>>
        %parallel_loop3A_263 = tpu.memref_squeeze %parallel_loop3A_262 : memref<1x8x4096xf32, #tpu.memory_space<vmem>> -> memref<8x4096xf32, #tpu.memory_space<vmem>>
        %parallel_loop3A_264 = tpu.vector_load_idx %parallel_loop3A_263[%parallel_loop3A_258, %parallel_loop3A_256] : memref<8x4096xf32, #tpu.memory_space<vmem>>[vector<16xi32>, vector<16xi32>], vector<16xf32>,
        %parallel_loop3A_265 = arith.constant 0 : i32
        %parallel_loop3A_266 = arith.constant 0 : i32
        %parallel_loop3A_267 = arith.index_cast %parallel_loop3A_265 : i32 to index
        %parallel_loop3A_268 = arith.index_cast %parallel_loop3A_266 : i32 to index
        %parallel_loop3A_269 = arith.index_cast %parallel_loop3A_252 : i32 to index
        %parallel_loop3A_270 = tpu.vector_load %arg7[%parallel_loop3A_267, %parallel_loop3A_268, %parallel_loop3A_269] {strides = array<i32>} : memref<2x8x2048xf32, #tpu.memory_space<vmem>>, vector<16xf32>,
        tpu.vector_store %arg7[%parallel_loop3A_267, %parallel_loop3A_268, %parallel_loop3A_269], %parallel_loop3A_264 {strides = array<i32>} : memref<2x8x2048xf32, #tpu.memory_space<vmem>>, vector<16xf32>,
        %parallel_loop3A_271 = arith.constant 1 : i32
        %parallel_loop3A_272 = vector.broadcast %parallel_loop3A_271 : i32 to vector<16xi32>
        %parallel_loop3A_273 = arith.constant 1 : i32
        %parallel_loop3A_274 = arith.constant 0 : i32
        %parallel_loop3A_275 = arith.constant 0 : i32
        %parallel_loop3A_276 = tpu.memref_slice %arg6[%parallel_loop3A_273, %parallel_loop3A_274, %parallel_loop3A_275] : memref<2x8x4096xf32, #tpu.memory_space<vmem>> -> memref<1x8x4096xf32, #tpu.memory_space<vmem>>
        %parallel_loop3A_277 = tpu.memref_squeeze %parallel_loop3A_276 : memref<1x8x4096xf32, #tpu.memory_space<vmem>> -> memref<8x4096xf32, #tpu.memory_space<vmem>>
        %parallel_loop3A_278 = tpu.vector_load_idx %parallel_loop3A_277[%parallel_loop3A_272, %parallel_loop3A_256] : memref<8x4096xf32, #tpu.memory_space<vmem>>[vector<16xi32>, vector<16xi32>], vector<16xf32>,
        %parallel_loop3A_279 = arith.constant 0 : i32
        %parallel_loop3A_280 = arith.constant 1 : i32
        %parallel_loop3A_281 = arith.index_cast %parallel_loop3A_279 : i32 to index
        %parallel_loop3A_282 = arith.index_cast %parallel_loop3A_280 : i32 to index
        %parallel_loop3A_283 = arith.index_cast %parallel_loop3A_252 : i32 to index
        %parallel_loop3A_284 = tpu.vector_load %arg7[%parallel_loop3A_281, %parallel_loop3A_282, %parallel_loop3A_283] {strides = array<i32>} : memref<2x8x2048xf32, #tpu.memory_space<vmem>>, vector<16xf32>,
        tpu.vector_store %arg7[%parallel_loop3A_281, %parallel_loop3A_282, %parallel_loop3A_283], %parallel_loop3A_278 {strides = array<i32>} : memref<2x8x2048xf32, #tpu.memory_space<vmem>>, vector<16xf32>,
        %parallel_loop3A_285 = arith.constant 2 : i32
        %parallel_loop3A_286 = vector.broadcast %parallel_loop3A_285 : i32 to vector<16xi32>
        %parallel_loop3A_287 = arith.constant 1 : i32
        %parallel_loop3A_288 = arith.constant 0 : i32
        %parallel_loop3A_289 = arith.constant 0 : i32
        %parallel_loop3A_290 = tpu.memref_slice %arg6[%parallel_loop3A_287, %parallel_loop3A_288, %parallel_loop3A_289] : memref<2x8x4096xf32, #tpu.memory_space<vmem>> -> memref<1x8x4096xf32, #tpu.memory_space<vmem>>
        %parallel_loop3A_291 = tpu.memref_squeeze %parallel_loop3A_290 : memref<1x8x4096xf32, #tpu.memory_space<vmem>> -> memref<8x4096xf32, #tpu.memory_space<vmem>>
        %parallel_loop3A_292 = tpu.vector_load_idx %parallel_loop3A_291[%parallel_loop3A_286, %parallel_loop3A_256] : memref<8x4096xf32, #tpu.memory_space<vmem>>[vector<16xi32>, vector<16xi32>], vector<16xf32>,
        %parallel_loop3A_293 = arith.constant 0 : i32
        %parallel_loop3A_294 = arith.constant 2 : i32
        %parallel_loop3A_295 = arith.index_cast %parallel_loop3A_293 : i32 to index
        %parallel_loop3A_296 = arith.index_cast %parallel_loop3A_294 : i32 to index
        %parallel_loop3A_297 = arith.index_cast %parallel_loop3A_252 : i32 to index
        %parallel_loop3A_298 = tpu.vector_load %arg7[%parallel_loop3A_295, %parallel_loop3A_296, %parallel_loop3A_297] {strides = array<i32>} : memref<2x8x2048xf32, #tpu.memory_space<vmem>>, vector<16xf32>,
        tpu.vector_store %arg7[%parallel_loop3A_295, %parallel_loop3A_296, %parallel_loop3A_297], %parallel_loop3A_292 {strides = array<i32>} : memref<2x8x2048xf32, #tpu.memory_space<vmem>>, vector<16xf32>,
        %parallel_loop3A_299 = arith.constant 3 : i32
        %parallel_loop3A_300 = vector.broadcast %parallel_loop3A_299 : i32 to vector<16xi32>
        %parallel_loop3A_301 = arith.constant 1 : i32
        %parallel_loop3A_302 = arith.constant 0 : i32
        %parallel_loop3A_303 = arith.constant 0 : i32
        %parallel_loop3A_304 = tpu.memref_slice %arg6[%parallel_loop3A_301, %parallel_loop3A_302, %parallel_loop3A_303] : memref<2x8x4096xf32, #tpu.memory_space<vmem>> -> memref<1x8x4096xf32, #tpu.memory_space<vmem>>
        %parallel_loop3A_305 = tpu.memref_squeeze %parallel_loop3A_304 : memref<1x8x4096xf32, #tpu.memory_space<vmem>> -> memref<8x4096xf32, #tpu.memory_space<vmem>>
        %parallel_loop3A_306 = tpu.vector_load_idx %parallel_loop3A_305[%parallel_loop3A_300, %parallel_loop3A_256] : memref<8x4096xf32, #tpu.memory_space<vmem>>[vector<16xi32>, vector<16xi32>], vector<16xf32>,
        %parallel_loop3A_307 = arith.constant 0 : i32
        %parallel_loop3A_308 = arith.constant 3 : i32
        %parallel_loop3A_309 = arith.index_cast %parallel_loop3A_307 : i32 to index
        %parallel_loop3A_310 = arith.index_cast %parallel_loop3A_308 : i32 to index
        %parallel_loop3A_311 = arith.index_cast %parallel_loop3A_252 : i32 to index
        %parallel_loop3A_312 = tpu.vector_load %arg7[%parallel_loop3A_309, %parallel_loop3A_310, %parallel_loop3A_311] {strides = array<i32>} : memref<2x8x2048xf32, #tpu.memory_space<vmem>>, vector<16xf32>,
        tpu.vector_store %arg7[%parallel_loop3A_309, %parallel_loop3A_310, %parallel_loop3A_311], %parallel_loop3A_306 {strides = array<i32>} : memref<2x8x2048xf32, #tpu.memory_space<vmem>>, vector<16xf32>,
        %parallel_loop3A_313 = arith.constant 4 : i32
        %parallel_loop3A_314 = vector.broadcast %parallel_loop3A_313 : i32 to vector<16xi32>
        %parallel_loop3A_315 = arith.constant 1 : i32
        %parallel_loop3A_316 = arith.constant 0 : i32
        %parallel_loop3A_317 = arith.constant 0 : i32
        %parallel_loop3A_318 = tpu.memref_slice %arg6[%parallel_loop3A_315, %parallel_loop3A_316, %parallel_loop3A_317] : memref<2x8x4096xf32, #tpu.memory_space<vmem>> -> memref<1x8x4096xf32, #tpu.memory_space<vmem>>
        %parallel_loop3A_319 = tpu.memref_squeeze %parallel_loop3A_318 : memref<1x8x4096xf32, #tpu.memory_space<vmem>> -> memref<8x4096xf32, #tpu.memory_space<vmem>>
        %parallel_loop3A_320 = tpu.vector_load_idx %parallel_loop3A_319[%parallel_loop3A_314, %parallel_loop3A_256] : memref<8x4096xf32, #tpu.memory_space<vmem>>[vector<16xi32>, vector<16xi32>], vector<16xf32>,
        %parallel_loop3A_321 = arith.constant 0 : i32
        %parallel_loop3A_322 = arith.constant 4 : i32
        %parallel_loop3A_323 = arith.index_cast %parallel_loop3A_321 : i32 to index
        %parallel_loop3A_324 = arith.index_cast %parallel_loop3A_322 : i32 to index
        %parallel_loop3A_325 = arith.index_cast %parallel_loop3A_252 : i32 to index
        %parallel_loop3A_326 = tpu.vector_load %arg7[%parallel_loop3A_323, %parallel_loop3A_324, %parallel_loop3A_325] {strides = array<i32>} : memref<2x8x2048xf32, #tpu.memory_space<vmem>>, vector<16xf32>,
        tpu.vector_store %arg7[%parallel_loop3A_323, %parallel_loop3A_324, %parallel_loop3A_325], %parallel_loop3A_320 {strides = array<i32>} : memref<2x8x2048xf32, #tpu.memory_space<vmem>>, vector<16xf32>,
        %parallel_loop3A_327 = arith.constant 5 : i32
        %parallel_loop3A_328 = vector.broadcast %parallel_loop3A_327 : i32 to vector<16xi32>
        %parallel_loop3A_329 = arith.constant 1 : i32
        %parallel_loop3A_330 = arith.constant 0 : i32
        %parallel_loop3A_331 = arith.constant 0 : i32
        %parallel_loop3A_332 = tpu.memref_slice %arg6[%parallel_loop3A_329, %parallel_loop3A_330, %parallel_loop3A_331] : memref<2x8x4096xf32, #tpu.memory_space<vmem>> -> memref<1x8x4096xf32, #tpu.memory_space<vmem>>
        %parallel_loop3A_333 = tpu.memref_squeeze %parallel_loop3A_332 : memref<1x8x4096xf32, #tpu.memory_space<vmem>> -> memref<8x4096xf32, #tpu.memory_space<vmem>>
        %parallel_loop3A_334 = tpu.vector_load_idx %parallel_loop3A_333[%parallel_loop3A_328, %parallel_loop3A_256] : memref<8x4096xf32, #tpu.memory_space<vmem>>[vector<16xi32>, vector<16xi32>], vector<16xf32>,
        %parallel_loop3A_335 = arith.constant 0 : i32
        %parallel_loop3A_336 = arith.constant 5 : i32
        %parallel_loop3A_337 = arith.index_cast %parallel_loop3A_335 : i32 to index
        %parallel_loop3A_338 = arith.index_cast %parallel_loop3A_336 : i32 to index
        %parallel_loop3A_339 = arith.index_cast %parallel_loop3A_252 : i32 to index
        %parallel_loop3A_340 = tpu.vector_load %arg7[%parallel_loop3A_337, %parallel_loop3A_338, %parallel_loop3A_339] {strides = array<i32>} : memref<2x8x2048xf32, #tpu.memory_space<vmem>>, vector<16xf32>,
        tpu.vector_store %arg7[%parallel_loop3A_337, %parallel_loop3A_338, %parallel_loop3A_339], %parallel_loop3A_334 {strides = array<i32>} : memref<2x8x2048xf32, #tpu.memory_space<vmem>>, vector<16xf32>,
        %parallel_loop3A_341 = arith.constant 6 : i32
        %parallel_loop3A_342 = vector.broadcast %parallel_loop3A_341 : i32 to vector<16xi32>
        %parallel_loop3A_343 = arith.constant 1 : i32
        %parallel_loop3A_344 = arith.constant 0 : i32
        %parallel_loop3A_345 = arith.constant 0 : i32
        %parallel_loop3A_346 = tpu.memref_slice %arg6[%parallel_loop3A_343, %parallel_loop3A_344, %parallel_loop3A_345] : memref<2x8x4096xf32, #tpu.memory_space<vmem>> -> memref<1x8x4096xf32, #tpu.memory_space<vmem>>
        %parallel_loop3A_347 = tpu.memref_squeeze %parallel_loop3A_346 : memref<1x8x4096xf32, #tpu.memory_space<vmem>> -> memref<8x4096xf32, #tpu.memory_space<vmem>>
        %parallel_loop3A_348 = tpu.vector_load_idx %parallel_loop3A_347[%parallel_loop3A_342, %parallel_loop3A_256] : memref<8x4096xf32, #tpu.memory_space<vmem>>[vector<16xi32>, vector<16xi32>], vector<16xf32>,
        %parallel_loop3A_349 = arith.constant 0 : i32
        %parallel_loop3A_350 = arith.constant 6 : i32
        %parallel_loop3A_351 = arith.index_cast %parallel_loop3A_349 : i32 to index
        %parallel_loop3A_352 = arith.index_cast %parallel_loop3A_350 : i32 to index
        %parallel_loop3A_353 = arith.index_cast %parallel_loop3A_252 : i32 to index
        %parallel_loop3A_354 = tpu.vector_load %arg7[%parallel_loop3A_351, %parallel_loop3A_352, %parallel_loop3A_353] {strides = array<i32>} : memref<2x8x2048xf32, #tpu.memory_space<vmem>>, vector<16xf32>,
        tpu.vector_store %arg7[%parallel_loop3A_351, %parallel_loop3A_352, %parallel_loop3A_353], %parallel_loop3A_348 {strides = array<i32>} : memref<2x8x2048xf32, #tpu.memory_space<vmem>>, vector<16xf32>,
        %parallel_loop3A_355 = arith.constant 7 : i32
        %parallel_loop3A_356 = vector.broadcast %parallel_loop3A_355 : i32 to vector<16xi32>
        %parallel_loop3A_357 = arith.constant 1 : i32
        %parallel_loop3A_358 = arith.constant 0 : i32
        %parallel_loop3A_359 = arith.constant 0 : i32
        %parallel_loop3A_360 = tpu.memref_slice %arg6[%parallel_loop3A_357, %parallel_loop3A_358, %parallel_loop3A_359] : memref<2x8x4096xf32, #tpu.memory_space<vmem>> -> memref<1x8x4096xf32, #tpu.memory_space<vmem>>
        %parallel_loop3A_361 = tpu.memref_squeeze %parallel_loop3A_360 : memref<1x8x4096xf32, #tpu.memory_space<vmem>> -> memref<8x4096xf32, #tpu.memory_space<vmem>>
        %parallel_loop3A_362 = tpu.vector_load_idx %parallel_loop3A_361[%parallel_loop3A_356, %parallel_loop3A_256] : memref<8x4096xf32, #tpu.memory_space<vmem>>[vector<16xi32>, vector<16xi32>], vector<16xf32>,
        %parallel_loop3A_363 = arith.constant 0 : i32
        %parallel_loop3A_364 = arith.constant 7 : i32
        %parallel_loop3A_365 = arith.index_cast %parallel_loop3A_363 : i32 to index
        %parallel_loop3A_366 = arith.index_cast %parallel_loop3A_364 : i32 to index
        %parallel_loop3A_367 = arith.index_cast %parallel_loop3A_252 : i32 to index
        %parallel_loop3A_368 = tpu.vector_load %arg7[%parallel_loop3A_365, %parallel_loop3A_366, %parallel_loop3A_367] {strides = array<i32>} : memref<2x8x2048xf32, #tpu.memory_space<vmem>>, vector<16xf32>,
        tpu.vector_store %arg7[%parallel_loop3A_365, %parallel_loop3A_366, %parallel_loop3A_367], %parallel_loop3A_362 {strides = array<i32>} : memref<2x8x2048xf32, #tpu.memory_space<vmem>>, vector<16xf32>,
      } {sc.loop_unroll_factor = 4 : i64, sc.parallel_access}
      %add3A_196 = arith.addi %mul3A_2, %add3A_168 : i32
      %mul3A_197 = arith.constant 8 : i32
      %mul3A_198 = arith.muli %add3A_196, %mul3A_197 : i32
      %dma_start3A_199 = arith.constant 0 : i32
      %dma_start3A_200 = arith.constant 0 : i32
      %dma_start3A_201 = arith.constant 0 : i32
      %dma_start3A_202 = arith.constant 0 : i32
      %dma_start3A_203 = tpu.memref_slice %arg7[%dma_start3A_199, %dma_start3A_201, %dma_start3A_202] : memref<2x8x2048xf32, #tpu.memory_space<vmem>> -> memref<1x8x2048xf32, #tpu.memory_space<vmem>>
      %dma_start3A_204 = tpu.memref_squeeze %dma_start3A_203 : memref<1x8x2048xf32, #tpu.memory_space<vmem>> -> memref<8x2048xf32, #tpu.memory_space<vmem>>
      %dma_start3A_205 = arith.constant 0 : i32
      %dma_start3A_206 = tpu.memref_slice %arg4[%mul3A_198, %dma_start3A_205] : memref<16384x4096xf32, #tpu.memory_space<hbm>> -> memref<8x2048xf32, #tpu.memory_space<hbm>>
      %dma_start3A_207 = tpu.memref_slice %arg9[%dma_start3A_200] : memref<2x!tpu.dma_semaphore, #tpu.memory_space<semaphore_mem>> -> memref<1x!tpu.dma_semaphore, #tpu.memory_space<semaphore_mem>>
      %dma_start3A_208 = tpu.memref_squeeze %dma_start3A_207 : memref<1x!tpu.dma_semaphore, #tpu.memory_space<semaphore_mem>> -> memref<!tpu.dma_semaphore, #tpu.memory_space<semaphore_mem>>
      %dma_start3A_209 = arith.constant 0 : i32
      %dma_start3A_210 = tpu.memref_slice %arg4[%mul3A_198, %dma_start3A_209] : memref<16384x4096xf32, #tpu.memory_space<hbm>> -> memref<8x2048xf32, #tpu.memory_space<hbm>>
      %dma_start3A_211 = arith.constant 0 : i32
      %dma_start3A_212 = arith.constant 0 : i32
      %dma_start3A_213 = tpu.memref_slice %arg7[%dma_start3A_199, %dma_start3A_211, %dma_start3A_212] : memref<2x8x2048xf32, #tpu.memory_space<vmem>> -> memref<1x8x2048xf32, #tpu.memory_space<vmem>>
      %dma_start3A_214 = tpu.memref_squeeze %dma_start3A_213 : memref<1x8x2048xf32, #tpu.memory_space<vmem>> -> memref<8x2048xf32, #tpu.memory_space<vmem>>
      tpu.enqueue_dma source(%dma_start3A_214 : memref<8x2048xf32, #tpu.memory_space<vmem>>) target(%dma_start3A_210 : memref<8x2048xf32, #tpu.memory_space<hbm>>) target_semaphore(%dma_start3A_208 : memref<!tpu.dma_semaphore, #tpu.memory_space<semaphore_mem>>)
      %ge3A_215 = arith.constant 1 : i32
      %ge3A_216 = arith.cmpi sge, %add3A_168, %ge3A_215 : i32
      %convert_element_type3A_217 = arith.extui %ge3A_216 : i1 to i32
      %cond3A_218 = arith.constant 0 : i32
      %cond3A_219 = arith.cmpi ne, %convert_element_type3A_217, %cond3A_218 : i32
      scf.if %cond3A_219 {
        %sub3A = arith.constant 1 : i32
        %sub3A_249 = arith.subi %add3A_168, %sub3A : i32
        %add3A_250 = arith.addi %mul3A_2, %sub3A_249 : i32
        %mul3A_251 = arith.constant 8 : i32
        %mul3A_252 = arith.muli %add3A_250, %mul3A_251 : i32
        %dma_wait3A_253 = arith.constant 1 : i32
        %dma_wait3A_254 = arith.constant 1 : i32
        %dma_wait3A_255 = arith.constant 0 : i32
        %dma_wait3A_256 = arith.constant 0 : i32
        %dma_wait3A_257 = tpu.memref_slice %arg7[%dma_wait3A_253, %dma_wait3A_255, %dma_wait3A_256] : memref<2x8x2048xf32, #tpu.memory_space<vmem>> -> memref<1x8x2048xf32, #tpu.memory_space<vmem>>
        %dma_wait3A_258 = tpu.memref_squeeze %dma_wait3A_257 : memref<1x8x2048xf32, #tpu.memory_space<vmem>> -> memref<8x2048xf32, #tpu.memory_space<vmem>>
        %dma_wait3A_259 = arith.constant 2048 : i32
        %dma_wait3A_260 = tpu.memref_slice %arg4[%mul3A_252, %dma_wait3A_259] : memref<16384x4096xf32, #tpu.memory_space<hbm>> -> memref<8x2048xf32, #tpu.memory_space<hbm>>
        %dma_wait3A_261 = tpu.memref_slice %arg9[%dma_wait3A_254] : memref<2x!tpu.dma_semaphore, #tpu.memory_space<semaphore_mem>> -> memref<1x!tpu.dma_semaphore, #tpu.memory_space<semaphore_mem>>
        %dma_wait3A_262 = tpu.memref_squeeze %dma_wait3A_261 : memref<1x!tpu.dma_semaphore, #tpu.memory_space<semaphore_mem>> -> memref<!tpu.dma_semaphore, #tpu.memory_space<semaphore_mem>>
        %dma_wait3A_263 = arith.constant 2048 : i32
        %dma_wait3A_264 = tpu.memref_slice %arg4[%mul3A_252, %dma_wait3A_263] : memref<16384x4096xf32, #tpu.memory_space<hbm>> -> memref<8x2048xf32, #tpu.memory_space<hbm>>
        %dma_wait3A_265 = arith.constant 0 : i32
        %dma_wait3A_266 = arith.constant 0 : i32
        %dma_wait3A_267 = tpu.memref_slice %arg7[%dma_wait3A_253, %dma_wait3A_265, %dma_wait3A_266] : memref<2x8x2048xf32, #tpu.memory_space<vmem>> -> memref<1x8x2048xf32, #tpu.memory_space<vmem>>
        %dma_wait3A_268 = tpu.memref_squeeze %dma_wait3A_267 : memref<1x8x2048xf32, #tpu.memory_space<vmem>> -> memref<8x2048xf32, #tpu.memory_space<vmem>>
        tpu.wait_dma2 semaphore(%dma_wait3A_262 : memref<!tpu.dma_semaphore, #tpu.memory_space<semaphore_mem>>) src(%dma_wait3A_268 : memref<8x2048xf32, #tpu.memory_space<vmem>>) dst(%dma_wait3A_264 : memref<8x2048xf32, #tpu.memory_space<hbm>>)
      } else {
      }
      %parallel_loop3A_220 = arith.constant 0 : i32
      %parallel_loop3A_221 = arith.constant 128 : i32
      %parallel_loop3A_222 = arith.constant 1 : i32
      scf.for %parallel_loop3A_249 = %parallel_loop3A_220 to %parallel_loop3A_221 step %parallel_loop3A_222  : i32 {
        %parallel_loop3A_250 = arith.constant 16 : i32
        %parallel_loop3A_251 = arith.muli %parallel_loop3A_249, %parallel_loop3A_250 : i32
        %parallel_loop3A_252 = tpu.assume_multiple %parallel_loop3A_251, 16 : i32
        %parallel_loop3A_253 = arith.constant 2048 : i32
        %parallel_loop3A_254 = arith.addi %parallel_loop3A_253, %parallel_loop3A_252 : i32
        %parallel_loop3A_255 = arith.index_cast %parallel_loop3A_254 : i32 to index
        %parallel_loop3A_256 = tpu.vector_load %arg5[%parallel_loop3A_255] {strides = array<i32>} : memref<4096xi32, #tpu.memory_space<vmem>>, vector<16xi32>,
        %parallel_loop3A_257 = arith.constant 0 : i32
        %parallel_loop3A_258 = vector.broadcast %parallel_loop3A_257 : i32 to vector<16xi32>
        %parallel_loop3A_259 = arith.constant 1 : i32
        %parallel_loop3A_260 = arith.constant 0 : i32
        %parallel_loop3A_261 = arith.constant 0 : i32
        %parallel_loop3A_262 = tpu.memref_slice %arg6[%parallel_loop3A_259, %parallel_loop3A_260, %parallel_loop3A_261] : memref<2x8x4096xf32, #tpu.memory_space<vmem>> -> memref<1x8x4096xf32, #tpu.memory_space<vmem>>
        %parallel_loop3A_263 = tpu.memref_squeeze %parallel_loop3A_262 : memref<1x8x4096xf32, #tpu.memory_space<vmem>> -> memref<8x4096xf32, #tpu.memory_space<vmem>>
        %parallel_loop3A_264 = tpu.vector_load_idx %parallel_loop3A_263[%parallel_loop3A_258, %parallel_loop3A_256] : memref<8x4096xf32, #tpu.memory_space<vmem>>[vector<16xi32>, vector<16xi32>], vector<16xf32>,
        %parallel_loop3A_265 = arith.constant 1 : i32
        %parallel_loop3A_266 = arith.constant 0 : i32
        %parallel_loop3A_267 = arith.index_cast %parallel_loop3A_265 : i32 to index
        %parallel_loop3A_268 = arith.index_cast %parallel_loop3A_266 : i32 to index
        %parallel_loop3A_269 = arith.index_cast %parallel_loop3A_252 : i32 to index
        %parallel_loop3A_270 = tpu.vector_load %arg7[%parallel_loop3A_267, %parallel_loop3A_268, %parallel_loop3A_269] {strides = array<i32>} : memref<2x8x2048xf32, #tpu.memory_space<vmem>>, vector<16xf32>,
        tpu.vector_store %arg7[%parallel_loop3A_267, %parallel_loop3A_268, %parallel_loop3A_269], %parallel_loop3A_264 {strides = array<i32>} : memref<2x8x2048xf32, #tpu.memory_space<vmem>>, vector<16xf32>,
        %parallel_loop3A_271 = arith.constant 1 : i32
        %parallel_loop3A_272 = vector.broadcast %parallel_loop3A_271 : i32 to vector<16xi32>
        %parallel_loop3A_273 = arith.constant 1 : i32
        %parallel_loop3A_274 = arith.constant 0 : i32
        %parallel_loop3A_275 = arith.constant 0 : i32
        %parallel_loop3A_276 = tpu.memref_slice %arg6[%parallel_loop3A_273, %parallel_loop3A_274, %parallel_loop3A_275] : memref<2x8x4096xf32, #tpu.memory_space<vmem>> -> memref<1x8x4096xf32, #tpu.memory_space<vmem>>
        %parallel_loop3A_277 = tpu.memref_squeeze %parallel_loop3A_276 : memref<1x8x4096xf32, #tpu.memory_space<vmem>> -> memref<8x4096xf32, #tpu.memory_space<vmem>>
        %parallel_loop3A_278 = tpu.vector_load_idx %parallel_loop3A_277[%parallel_loop3A_272, %parallel_loop3A_256] : memref<8x4096xf32, #tpu.memory_space<vmem>>[vector<16xi32>, vector<16xi32>], vector<16xf32>,
        %parallel_loop3A_279 = arith.constant 1 : i32
        %parallel_loop3A_280 = arith.constant 1 : i32
        %parallel_loop3A_281 = arith.index_cast %parallel_loop3A_279 : i32 to index
        %parallel_loop3A_282 = arith.index_cast %parallel_loop3A_280 : i32 to index
        %parallel_loop3A_283 = arith.index_cast %parallel_loop3A_252 : i32 to index
        %parallel_loop3A_284 = tpu.vector_load %arg7[%parallel_loop3A_281, %parallel_loop3A_282, %parallel_loop3A_283] {strides = array<i32>} : memref<2x8x2048xf32, #tpu.memory_space<vmem>>, vector<16xf32>,
        tpu.vector_store %arg7[%parallel_loop3A_281, %parallel_loop3A_282, %parallel_loop3A_283], %parallel_loop3A_278 {strides = array<i32>} : memref<2x8x2048xf32, #tpu.memory_space<vmem>>, vector<16xf32>,
        %parallel_loop3A_285 = arith.constant 2 : i32
        %parallel_loop3A_286 = vector.broadcast %parallel_loop3A_285 : i32 to vector<16xi32>
        %parallel_loop3A_287 = arith.constant 1 : i32
        %parallel_loop3A_288 = arith.constant 0 : i32
        %parallel_loop3A_289 = arith.constant 0 : i32
        %parallel_loop3A_290 = tpu.memref_slice %arg6[%parallel_loop3A_287, %parallel_loop3A_288, %parallel_loop3A_289] : memref<2x8x4096xf32, #tpu.memory_space<vmem>> -> memref<1x8x4096xf32, #tpu.memory_space<vmem>>
        %parallel_loop3A_291 = tpu.memref_squeeze %parallel_loop3A_290 : memref<1x8x4096xf32, #tpu.memory_space<vmem>> -> memref<8x4096xf32, #tpu.memory_space<vmem>>
        %parallel_loop3A_292 = tpu.vector_load_idx %parallel_loop3A_291[%parallel_loop3A_286, %parallel_loop3A_256] : memref<8x4096xf32, #tpu.memory_space<vmem>>[vector<16xi32>, vector<16xi32>], vector<16xf32>,
        %parallel_loop3A_293 = arith.constant 1 : i32
        %parallel_loop3A_294 = arith.constant 2 : i32
        %parallel_loop3A_295 = arith.index_cast %parallel_loop3A_293 : i32 to index
        %parallel_loop3A_296 = arith.index_cast %parallel_loop3A_294 : i32 to index
        %parallel_loop3A_297 = arith.index_cast %parallel_loop3A_252 : i32 to index
        %parallel_loop3A_298 = tpu.vector_load %arg7[%parallel_loop3A_295, %parallel_loop3A_296, %parallel_loop3A_297] {strides = array<i32>} : memref<2x8x2048xf32, #tpu.memory_space<vmem>>, vector<16xf32>,
        tpu.vector_store %arg7[%parallel_loop3A_295, %parallel_loop3A_296, %parallel_loop3A_297], %parallel_loop3A_292 {strides = array<i32>} : memref<2x8x2048xf32, #tpu.memory_space<vmem>>, vector<16xf32>,
        %parallel_loop3A_299 = arith.constant 3 : i32
        %parallel_loop3A_300 = vector.broadcast %parallel_loop3A_299 : i32 to vector<16xi32>
        %parallel_loop3A_301 = arith.constant 1 : i32
        %parallel_loop3A_302 = arith.constant 0 : i32
        %parallel_loop3A_303 = arith.constant 0 : i32
        %parallel_loop3A_304 = tpu.memref_slice %arg6[%parallel_loop3A_301, %parallel_loop3A_302, %parallel_loop3A_303] : memref<2x8x4096xf32, #tpu.memory_space<vmem>> -> memref<1x8x4096xf32, #tpu.memory_space<vmem>>
        %parallel_loop3A_305 = tpu.memref_squeeze %parallel_loop3A_304 : memref<1x8x4096xf32, #tpu.memory_space<vmem>> -> memref<8x4096xf32, #tpu.memory_space<vmem>>
        %parallel_loop3A_306 = tpu.vector_load_idx %parallel_loop3A_305[%parallel_loop3A_300, %parallel_loop3A_256] : memref<8x4096xf32, #tpu.memory_space<vmem>>[vector<16xi32>, vector<16xi32>], vector<16xf32>,
        %parallel_loop3A_307 = arith.constant 1 : i32
        %parallel_loop3A_308 = arith.constant 3 : i32
        %parallel_loop3A_309 = arith.index_cast %parallel_loop3A_307 : i32 to index
        %parallel_loop3A_310 = arith.index_cast %parallel_loop3A_308 : i32 to index
        %parallel_loop3A_311 = arith.index_cast %parallel_loop3A_252 : i32 to index
        %parallel_loop3A_312 = tpu.vector_load %arg7[%parallel_loop3A_309, %parallel_loop3A_310, %parallel_loop3A_311] {strides = array<i32>} : memref<2x8x2048xf32, #tpu.memory_space<vmem>>, vector<16xf32>,
        tpu.vector_store %arg7[%parallel_loop3A_309, %parallel_loop3A_310, %parallel_loop3A_311], %parallel_loop3A_306 {strides = array<i32>} : memref<2x8x2048xf32, #tpu.memory_space<vmem>>, vector<16xf32>,
        %parallel_loop3A_313 = arith.constant 4 : i32
        %parallel_loop3A_314 = vector.broadcast %parallel_loop3A_313 : i32 to vector<16xi32>
        %parallel_loop3A_315 = arith.constant 1 : i32
        %parallel_loop3A_316 = arith.constant 0 : i32
        %parallel_loop3A_317 = arith.constant 0 : i32
        %parallel_loop3A_318 = tpu.memref_slice %arg6[%parallel_loop3A_315, %parallel_loop3A_316, %parallel_loop3A_317] : memref<2x8x4096xf32, #tpu.memory_space<vmem>> -> memref<1x8x4096xf32, #tpu.memory_space<vmem>>
        %parallel_loop3A_319 = tpu.memref_squeeze %parallel_loop3A_318 : memref<1x8x4096xf32, #tpu.memory_space<vmem>> -> memref<8x4096xf32, #tpu.memory_space<vmem>>
        %parallel_loop3A_320 = tpu.vector_load_idx %parallel_loop3A_319[%parallel_loop3A_314, %parallel_loop3A_256] : memref<8x4096xf32, #tpu.memory_space<vmem>>[vector<16xi32>, vector<16xi32>], vector<16xf32>,
        %parallel_loop3A_321 = arith.constant 1 : i32
        %parallel_loop3A_322 = arith.constant 4 : i32
        %parallel_loop3A_323 = arith.index_cast %parallel_loop3A_321 : i32 to index
        %parallel_loop3A_324 = arith.index_cast %parallel_loop3A_322 : i32 to index
        %parallel_loop3A_325 = arith.index_cast %parallel_loop3A_252 : i32 to index
        %parallel_loop3A_326 = tpu.vector_load %arg7[%parallel_loop3A_323, %parallel_loop3A_324, %parallel_loop3A_325] {strides = array<i32>} : memref<2x8x2048xf32, #tpu.memory_space<vmem>>, vector<16xf32>,
        tpu.vector_store %arg7[%parallel_loop3A_323, %parallel_loop3A_324, %parallel_loop3A_325], %parallel_loop3A_320 {strides = array<i32>} : memref<2x8x2048xf32, #tpu.memory_space<vmem>>, vector<16xf32>,
        %parallel_loop3A_327 = arith.constant 5 : i32
        %parallel_loop3A_328 = vector.broadcast %parallel_loop3A_327 : i32 to vector<16xi32>
        %parallel_loop3A_329 = arith.constant 1 : i32
        %parallel_loop3A_330 = arith.constant 0 : i32
        %parallel_loop3A_331 = arith.constant 0 : i32
        %parallel_loop3A_332 = tpu.memref_slice %arg6[%parallel_loop3A_329, %parallel_loop3A_330, %parallel_loop3A_331] : memref<2x8x4096xf32, #tpu.memory_space<vmem>> -> memref<1x8x4096xf32, #tpu.memory_space<vmem>>
        %parallel_loop3A_333 = tpu.memref_squeeze %parallel_loop3A_332 : memref<1x8x4096xf32, #tpu.memory_space<vmem>> -> memref<8x4096xf32, #tpu.memory_space<vmem>>
        %parallel_loop3A_334 = tpu.vector_load_idx %parallel_loop3A_333[%parallel_loop3A_328, %parallel_loop3A_256] : memref<8x4096xf32, #tpu.memory_space<vmem>>[vector<16xi32>, vector<16xi32>], vector<16xf32>,
        %parallel_loop3A_335 = arith.constant 1 : i32
        %parallel_loop3A_336 = arith.constant 5 : i32
        %parallel_loop3A_337 = arith.index_cast %parallel_loop3A_335 : i32 to index
        %parallel_loop3A_338 = arith.index_cast %parallel_loop3A_336 : i32 to index
        %parallel_loop3A_339 = arith.index_cast %parallel_loop3A_252 : i32 to index
        %parallel_loop3A_340 = tpu.vector_load %arg7[%parallel_loop3A_337, %parallel_loop3A_338, %parallel_loop3A_339] {strides = array<i32>} : memref<2x8x2048xf32, #tpu.memory_space<vmem>>, vector<16xf32>,
        tpu.vector_store %arg7[%parallel_loop3A_337, %parallel_loop3A_338, %parallel_loop3A_339], %parallel_loop3A_334 {strides = array<i32>} : memref<2x8x2048xf32, #tpu.memory_space<vmem>>, vector<16xf32>,
        %parallel_loop3A_341 = arith.constant 6 : i32
        %parallel_loop3A_342 = vector.broadcast %parallel_loop3A_341 : i32 to vector<16xi32>
        %parallel_loop3A_343 = arith.constant 1 : i32
        %parallel_loop3A_344 = arith.constant 0 : i32
        %parallel_loop3A_345 = arith.constant 0 : i32
        %parallel_loop3A_346 = tpu.memref_slice %arg6[%parallel_loop3A_343, %parallel_loop3A_344, %parallel_loop3A_345] : memref<2x8x4096xf32, #tpu.memory_space<vmem>> -> memref<1x8x4096xf32, #tpu.memory_space<vmem>>
        %parallel_loop3A_347 = tpu.memref_squeeze %parallel_loop3A_346 : memref<1x8x4096xf32, #tpu.memory_space<vmem>> -> memref<8x4096xf32, #tpu.memory_space<vmem>>
        %parallel_loop3A_348 = tpu.vector_load_idx %parallel_loop3A_347[%parallel_loop3A_342, %parallel_loop3A_256] : memref<8x4096xf32, #tpu.memory_space<vmem>>[vector<16xi32>, vector<16xi32>], vector<16xf32>,
        %parallel_loop3A_349 = arith.constant 1 : i32
        %parallel_loop3A_350 = arith.constant 6 : i32
        %parallel_loop3A_351 = arith.index_cast %parallel_loop3A_349 : i32 to index
        %parallel_loop3A_352 = arith.index_cast %parallel_loop3A_350 : i32 to index
        %parallel_loop3A_353 = arith.index_cast %parallel_loop3A_252 : i32 to index
        %parallel_loop3A_354 = tpu.vector_load %arg7[%parallel_loop3A_351, %parallel_loop3A_352, %parallel_loop3A_353] {strides = array<i32>} : memref<2x8x2048xf32, #tpu.memory_space<vmem>>, vector<16xf32>,
        tpu.vector_store %arg7[%parallel_loop3A_351, %parallel_loop3A_352, %parallel_loop3A_353], %parallel_loop3A_348 {strides = array<i32>} : memref<2x8x2048xf32, #tpu.memory_space<vmem>>, vector<16xf32>,
        %parallel_loop3A_355 = arith.constant 7 : i32
        %parallel_loop3A_356 = vector.broadcast %parallel_loop3A_355 : i32 to vector<16xi32>
        %parallel_loop3A_357 = arith.constant 1 : i32
        %parallel_loop3A_358 = arith.constant 0 : i32
        %parallel_loop3A_359 = arith.constant 0 : i32
        %parallel_loop3A_360 = tpu.memref_slice %arg6[%parallel_loop3A_357, %parallel_loop3A_358, %parallel_loop3A_359] : memref<2x8x4096xf32, #tpu.memory_space<vmem>> -> memref<1x8x4096xf32, #tpu.memory_space<vmem>>
        %parallel_loop3A_361 = tpu.memref_squeeze %parallel_loop3A_360 : memref<1x8x4096xf32, #tpu.memory_space<vmem>> -> memref<8x4096xf32, #tpu.memory_space<vmem>>
        %parallel_loop3A_362 = tpu.vector_load_idx %parallel_loop3A_361[%parallel_loop3A_356, %parallel_loop3A_256] : memref<8x4096xf32, #tpu.memory_space<vmem>>[vector<16xi32>, vector<16xi32>], vector<16xf32>,
        %parallel_loop3A_363 = arith.constant 1 : i32
        %parallel_loop3A_364 = arith.constant 7 : i32
        %parallel_loop3A_365 = arith.index_cast %parallel_loop3A_363 : i32 to index
        %parallel_loop3A_366 = arith.index_cast %parallel_loop3A_364 : i32 to index
        %parallel_loop3A_367 = arith.index_cast %parallel_loop3A_252 : i32 to index
        %parallel_loop3A_368 = tpu.vector_load %arg7[%parallel_loop3A_365, %parallel_loop3A_366, %parallel_loop3A_367] {strides = array<i32>} : memref<2x8x2048xf32, #tpu.memory_space<vmem>>, vector<16xf32>,
        tpu.vector_store %arg7[%parallel_loop3A_365, %parallel_loop3A_366, %parallel_loop3A_367], %parallel_loop3A_362 {strides = array<i32>} : memref<2x8x2048xf32, #tpu.memory_space<vmem>>, vector<16xf32>,
      } {sc.loop_unroll_factor = 4 : i64, sc.parallel_access}
      %add3A_223 = arith.addi %mul3A_2, %add3A_168 : i32
      %mul3A_224 = arith.constant 8 : i32
      %mul3A_225 = arith.muli %add3A_223, %mul3A_224 : i32
      %dma_start3A_226 = arith.constant 1 : i32
      %dma_start3A_227 = arith.constant 1 : i32
      %dma_start3A_228 = arith.constant 0 : i32
      %dma_start3A_229 = arith.constant 0 : i32
      %dma_start3A_230 = tpu.memref_slice %arg7[%dma_start3A_226, %dma_start3A_228, %dma_start3A_229] : memref<2x8x2048xf32, #tpu.memory_space<vmem>> -> memref<1x8x2048xf32, #tpu.memory_space<vmem>>
      %dma_start3A_231 = tpu.memref_squeeze %dma_start3A_230 : memref<1x8x2048xf32, #tpu.memory_space<vmem>> -> memref<8x2048xf32, #tpu.memory_space<vmem>>
      %dma_start3A_232 = arith.constant 2048 : i32
      %dma_start3A_233 = tpu.memref_slice %arg4[%mul3A_225, %dma_start3A_232] : memref<16384x4096xf32, #tpu.memory_space<hbm>> -> memref<8x2048xf32, #tpu.memory_space<hbm>>
      %dma_start3A_234 = tpu.memref_slice %arg9[%dma_start3A_227] : memref<2x!tpu.dma_semaphore, #tpu.memory_space<semaphore_mem>> -> memref<1x!tpu.dma_semaphore, #tpu.memory_space<semaphore_mem>>
      %dma_start3A_235 = tpu.memref_squeeze %dma_start3A_234 : memref<1x!tpu.dma_semaphore, #tpu.memory_space<semaphore_mem>> -> memref<!tpu.dma_semaphore, #tpu.memory_space<semaphore_mem>>
      %dma_start3A_236 = arith.constant 2048 : i32
      %dma_start3A_237 = tpu.memref_slice %arg4[%mul3A_225, %dma_start3A_236] : memref<16384x4096xf32, #tpu.memory_space<hbm>> -> memref<8x2048xf32, #tpu.memory_space<hbm>>
      %dma_start3A_238 = arith.constant 0 : i32
      %dma_start3A_239 = arith.constant 0 : i32
      %dma_start3A_240 = tpu.memref_slice %arg7[%dma_start3A_226, %dma_start3A_238, %dma_start3A_239] : memref<2x8x2048xf32, #tpu.memory_space<vmem>> -> memref<1x8x2048xf32, #tpu.memory_space<vmem>>
      %dma_start3A_241 = tpu.memref_squeeze %dma_start3A_240 : memref<1x8x2048xf32, #tpu.memory_space<vmem>> -> memref<8x2048xf32, #tpu.memory_space<vmem>>
      tpu.enqueue_dma source(%dma_start3A_241 : memref<8x2048xf32, #tpu.memory_space<vmem>>) target(%dma_start3A_237 : memref<8x2048xf32, #tpu.memory_space<hbm>>) target_semaphore(%dma_start3A_235 : memref<!tpu.dma_semaphore, #tpu.memory_space<semaphore_mem>>)
      %add3A_242 = arith.constant 2 : i32
      %add3A_243 = arith.addi %add3A_168, %add3A_242 : i32
      %lt3A_244 = arith.constant 64 : i32
      %lt3A_245 = arith.cmpi slt, %add3A_243, %lt3A_244 : i32
      %convert_element_type3A_246 = arith.extui %lt3A_245 : i1 to i32
      %cond3A_247 = arith.constant 0 : i32
      %cond3A_248 = arith.cmpi ne, %convert_element_type3A_246, %cond3A_247 : i32
      scf.if %cond3A_248 {
        %add3A_249 = arith.constant 2 : i32
        %add3A_250 = arith.addi %add3A_168, %add3A_249 : i32
        %add3A_251 = arith.addi %mul3A_2, %add3A_250 : i32
        %mul3A_252 = arith.constant 8 : i32
        %mul3A_253 = arith.muli %add3A_251, %mul3A_252 : i32
        %dma_start3A_254 = arith.constant 1 : i32
        %dma_start3A_255 = arith.constant 1 : i32
        %dma_start3A_256 = arith.constant 0 : i32
        %dma_start3A_257 = arith.constant 0 : i32
        %dma_start3A_258 = tpu.memref_slice %arg6[%dma_start3A_254, %dma_start3A_256, %dma_start3A_257] : memref<2x8x4096xf32, #tpu.memory_space<vmem>> -> memref<1x8x4096xf32, #tpu.memory_space<vmem>>
        %dma_start3A_259 = tpu.memref_squeeze %dma_start3A_258 : memref<1x8x4096xf32, #tpu.memory_space<vmem>> -> memref<8x4096xf32, #tpu.memory_space<vmem>>
        %dma_start3A_260 = arith.constant 0 : i32
        %dma_start3A_261 = tpu.memref_slice %arg2[%mul3A_253, %dma_start3A_260] : memref<16384x4096xf32, #tpu.memory_space<hbm>> -> memref<8x4096xf32, #tpu.memory_space<hbm>>
        %dma_start3A_262 = tpu.memref_slice %arg8[%dma_start3A_255] : memref<2x!tpu.dma_semaphore, #tpu.memory_space<semaphore_mem>> -> memref<1x!tpu.dma_semaphore, #tpu.memory_space<semaphore_mem>>
        %dma_start3A_263 = tpu.memref_squeeze %dma_start3A_262 : memref<1x!tpu.dma_semaphore, #tpu.memory_space<semaphore_mem>> -> memref<!tpu.dma_semaphore, #tpu.memory_space<semaphore_mem>>
        %dma_start3A_264 = arith.constant 0 : i32
        %dma_start3A_265 = arith.constant 0 : i32
        %dma_start3A_266 = tpu.memref_slice %arg6[%dma_start3A_254, %dma_start3A_264, %dma_start3A_265] : memref<2x8x4096xf32, #tpu.memory_space<vmem>> -> memref<1x8x4096xf32, #tpu.memory_space<vmem>>
        %dma_start3A_267 = tpu.memref_squeeze %dma_start3A_266 : memref<1x8x4096xf32, #tpu.memory_space<vmem>> -> memref<8x4096xf32, #tpu.memory_space<vmem>>
        %dma_start3A_268 = arith.constant 0 : i32
        %dma_start3A_269 = tpu.memref_slice %arg2[%mul3A_253, %dma_start3A_268] : memref<16384x4096xf32, #tpu.memory_space<hbm>> -> memref<8x4096xf32, #tpu.memory_space<hbm>>
        tpu.enqueue_dma source(%dma_start3A_269 : memref<8x4096xf32, #tpu.memory_space<hbm>>) target(%dma_start3A_267 : memref<8x4096xf32, #tpu.memory_space<vmem>>) target_semaphore(%dma_start3A_263 : memref<!tpu.dma_semaphore, #tpu.memory_space<semaphore_mem>>)
      } else {
      }
    }
    %scan3A_45 = arith.constant 32 : i32
    %add3A_46 = arith.constant 63 : i32
    %add3A_47 = arith.addi %mul3A_2, %add3A_46 : i32
    %mul3A_48 = arith.constant 8 : i32
    %mul3A_49 = arith.muli %add3A_47, %mul3A_48 : i32
    %dma_wait3A = arith.constant 0 : i32
    %dma_wait3A_50 = arith.constant 0 : i32
    %dma_wait3A_51 = arith.constant 0 : i32
    %dma_wait3A_52 = arith.constant 0 : i32
    %dma_wait3A_53 = tpu.memref_slice %arg7[%dma_wait3A, %dma_wait3A_51, %dma_wait3A_52] : memref<2x8x2048xf32, #tpu.memory_space<vmem>> -> memref<1x8x2048xf32, #tpu.memory_space<vmem>>
    %dma_wait3A_54 = tpu.memref_squeeze %dma_wait3A_53 : memref<1x8x2048xf32, #tpu.memory_space<vmem>> -> memref<8x2048xf32, #tpu.memory_space<vmem>>
    %dma_wait3A_55 = arith.constant 0 : i32
    %dma_wait3A_56 = tpu.memref_slice %arg4[%mul3A_49, %dma_wait3A_55] : memref<16384x4096xf32, #tpu.memory_space<hbm>> -> memref<8x2048xf32, #tpu.memory_space<hbm>>
    %dma_wait3A_57 = tpu.memref_slice %arg9[%dma_wait3A_50] : memref<2x!tpu.dma_semaphore, #tpu.memory_space<semaphore_mem>> -> memref<1x!tpu.dma_semaphore, #tpu.memory_space<semaphore_mem>>
    %dma_wait3A_58 = tpu.memref_squeeze %dma_wait3A_57 : memref<1x!tpu.dma_semaphore, #tpu.memory_space<semaphore_mem>> -> memref<!tpu.dma_semaphore, #tpu.memory_space<semaphore_mem>>
    %dma_wait3A_59 = arith.constant 0 : i32
    %dma_wait3A_60 = tpu.memref_slice %arg4[%mul3A_49, %dma_wait3A_59] : memref<16384x4096xf32, #tpu.memory_space<hbm>> -> memref<8x2048xf32, #tpu.memory_space<hbm>>
    %dma_wait3A_61 = arith.constant 0 : i32
    %dma_wait3A_62 = arith.constant 0 : i32
    %dma_wait3A_63 = tpu.memref_slice %arg7[%dma_wait3A, %dma_wait3A_61, %dma_wait3A_62] : memref<2x8x2048xf32, #tpu.memory_space<vmem>> -> memref<1x8x2048xf32, #tpu.memory_space<vmem>>
    %dma_wait3A_64 = tpu.memref_squeeze %dma_wait3A_63 : memref<1x8x2048xf32, #tpu.memory_space<vmem>> -> memref<8x2048xf32, #tpu.memory_space<vmem>>
    tpu.wait_dma2 semaphore(%dma_wait3A_58 : memref<!tpu.dma_semaphore, #tpu.memory_space<semaphore_mem>>) src(%dma_wait3A_64 : memref<8x2048xf32, #tpu.memory_space<vmem>>) dst(%dma_wait3A_60 : memref<8x2048xf32, #tpu.memory_space<hbm>>)
    %add3A_65 = arith.constant 63 : i32
    %add3A_66 = arith.addi %mul3A_2, %add3A_65 : i32
    %mul3A_67 = arith.constant 8 : i32
    %mul3A_68 = arith.muli %add3A_66, %mul3A_67 : i32
    %dma_wait3A_69 = arith.constant 1 : i32
    %dma_wait3A_70 = arith.constant 1 : i32
    %dma_wait3A_71 = arith.constant 0 : i32
    %dma_wait3A_72 = arith.constant 0 : i32
    %dma_wait3A_73 = tpu.memref_slice %arg7[%dma_wait3A_69, %dma_wait3A_71, %dma_wait3A_72] : memref<2x8x2048xf32, #tpu.memory_space<vmem>> -> memref<1x8x2048xf32, #tpu.memory_space<vmem>>
    %dma_wait3A_74 = tpu.memref_squeeze %dma_wait3A_73 : memref<1x8x2048xf32, #tpu.memory_space<vmem>> -> memref<8x2048xf32, #tpu.memory_space<vmem>>
    %dma_wait3A_75 = arith.constant 2048 : i32
    %dma_wait3A_76 = tpu.memref_slice %arg4[%mul3A_68, %dma_wait3A_75] : memref<16384x4096xf32, #tpu.memory_space<hbm>> -> memref<8x2048xf32, #tpu.memory_space<hbm>>
    %dma_wait3A_77 = tpu.memref_slice %arg9[%dma_wait3A_70] : memref<2x!tpu.dma_semaphore, #tpu.memory_space<semaphore_mem>> -> memref<1x!tpu.dma_semaphore, #tpu.memory_space<semaphore_mem>>
    %dma_wait3A_78 = tpu.memref_squeeze %dma_wait3A_77 : memref<1x!tpu.dma_semaphore, #tpu.memory_space<semaphore_mem>> -> memref<!tpu.dma_semaphore, #tpu.memory_space<semaphore_mem>>
    %dma_wait3A_79 = arith.constant 2048 : i32
    %dma_wait3A_80 = tpu.memref_slice %arg4[%mul3A_68, %dma_wait3A_79] : memref<16384x4096xf32, #tpu.memory_space<hbm>> -> memref<8x2048xf32, #tpu.memory_space<hbm>>
    %dma_wait3A_81 = arith.constant 0 : i32
    %dma_wait3A_82 = arith.constant 0 : i32
    %dma_wait3A_83 = tpu.memref_slice %arg7[%dma_wait3A_69, %dma_wait3A_81, %dma_wait3A_82] : memref<2x8x2048xf32, #tpu.memory_space<vmem>> -> memref<1x8x2048xf32, #tpu.memory_space<vmem>>
    %dma_wait3A_84 = tpu.memref_squeeze %dma_wait3A_83 : memref<1x8x2048xf32, #tpu.memory_space<vmem>> -> memref<8x2048xf32, #tpu.memory_space<vmem>>
    tpu.wait_dma2 semaphore(%dma_wait3A_78 : memref<!tpu.dma_semaphore, #tpu.memory_space<semaphore_mem>>) src(%dma_wait3A_84 : memref<8x2048xf32, #tpu.memory_space<vmem>>) dst(%dma_wait3A_80 : memref<8x2048xf32, #tpu.memory_space<hbm>>)
    return
  }
}

</mosaic_0001>

<sc_bundles>
// kernel: kernel.3.cloned.1.call-start
scs
__scs_entry_jumppad:
0x0: {  	(pc) =	sbr.rel $0x88, $3  }
0x1: {  	(tag) =	ssettag $0x0;
	lr =	simm.s32 $0x1  }
0x2: {  	[smem:$0x3F9F] =	sst lr;
	_ =	strace $0xD0000000  }
0x3: {  	_ = 	snop  }
0x4: {  	_ = 	snop  }
0x5: {  	_ = 	snop  }
0x6: {  	_ = 	snop  }
0x7: {  	_ = 	snop  }
__scs_overlays_trampoline_lowered:
0x8: {  	[smem:$0x3FAE] =	sst s0  }
0x9: {  	[smem:$0x3FAF] =	sst s1  }
0xa: {  	[smem:$0x3FB0] =	sst s2  }
0xb: {  	[smem:$0x3FB1] =	sst s3  }
0xc: {  	[smem:$0x3FB2] =	sst s4  }
0xd: {  	[smem:$0x3FB3] =	sst s5  }
0xe: {  	[smem:$0x3FB4] =	sst s6  }
0xf: {  	[smem:$0x3FB5] =	sst s7  }
0x10: {  	[smem:$0x3FB6] =	sst s8  }
0x11: {  	[smem:$0x3FB7] =	sst s9;
	s0 =	simm.s32 @!p0 $0x0  }
0x12: {  	s1 =	sld [smem:$0x3F9D];
	s0 =	simm.s32 @p0 $0x1  }
0x13: {  	[smem:$0x3FB8] =	sst s0;
	s0 =	simm.s32 @!p1 $0x0  }
0x14: {  	s2 =	sld [smem:$0x3F9C];
	s0 =	simm.s32 @p1 $0x1  }
0x15: {  	[smem:$0x3FB9] =	sst s0;
	s0 =	simm.s32 @!p2 $0x0  }
0x16: {  	s3 =	sld [smem:$0x3FDB];
	s0 =	simm.s32 @p2 $0x1  }
0x17: {  	s4 =	simm.s32 $0x1BF5;
	[smem:$0x3FBB] =	sst s0  }
0x18: {  	s0 =	sld [smem:$0x3F9E];
	_ =	swait.ge [sflag:s4], $0x0  }
0x19: {  	s7 =	sld [smem:$0x3F9F]  }
0x1a: {  	s8 =	sadd.s32 $0xFFFFE003, lr  }
0x1b: {  	s9 =	sadd.s32 $0xFFFFFEF7, lr;
	s5 =	simm.s32 $0xFFFFFFFF;
	p2 =	slt.u32 s8, $0xFFFFF086  }
0x1c: {  	p1 =	slt.u32 s9, $0xF7A;
	s5 =	simm.s32 @!p2 $0x0  }
0x1d: {  	s5 =	simm.s32 @p1 $0x1;
	p0 =	seq.s32 s7, s2  }
0x1e: {  	s7 =	smul.u32 @!p0 $0xF7A, s2;
	p2 =	seq.s32 @!p0 s5, $0x0  }
0x1f: {  	s9 =	smul.u32 $0xF7A, s1;
	s8 =	simm.s32 @!p0 $0x1BF5;
	p2 =	por !p2, p0  }
0x20: {  	[sflag:s8] =	ssyncset.s32 @!p0 $0xFFFFF086;
	s6 =	sadd.s32 @!p0 s3, s7;
	s7 =	simm.s32 @!p0 $0x108  }
0x21: {  	s3 =	sadd.s32 s3, s9;
	s6 =	sadd.s32 @!p0 $0x88, s6;
	s7 =	simm.s32 @p2 $0x1082  }
0x22: {  	[simem:s7], [sflag:s8] =	dma.local @!p0 [hbm:s6], $0xF7A  }
0x23: {  	s9 =	sor.u32 $0xD0000000, s2;
	s6 =	simm.s32 $0x108;
	_ =	swait.ge @!p0 [sflag:s8], $0x0  }
0x24: {  	s3 =	sadd.s32 $0x88, s3;
	s6 =	simm.s32 @!p1 $0x1082;
	[sflag:s4] =	ssyncset.s32 $0xFFFFF086  }
0x25: {  	[simem:s6], [sflag:s4] =	dma.local [hbm:s3], $0xF7A  }
0x26: {  	[smem:$0x3F9F] =	sst s1;
	(tag) =	ssettag s2;
	_ =	strace s9  }
0x27: {  	s1 =	sld [smem:$0x3FAF]  }
0x28: {  	s2 =	sld [smem:$0x3FB0]  }
0x29: {  	s4 =	sld [smem:$0x3FB2]  }
0x2a: {  	p0 =	seq.s32 s5, $0x0;
	s5 =	sld [smem:$0x3FB3]  }
0x2b: {  	s6 =	sld [smem:$0x3FB4]  }
0x2c: {  	s7 =	sld [smem:$0x3FB5]  }
0x2d: {  	s3 =	simm.s32 $0x108;
	s8 =	sld [smem:$0x3FB6]  }
0x2e: {  	s3 =	simm.s32 @!p0 $0x1082;
	s9 =	sld [smem:$0x3FB7]  }
0x2f: {  	lr =	sadd.s32 s0, s3;
	s0 =	sld [smem:$0x3FAE]  }
0x30: {  	s3 =	sld [smem:$0x3FB1]  }
0x31: {  	[smem:$0x3FBA] =	sst s10  }
0x32: {  	s10 =	sld [smem:$0x3FB8];
	_ =	sdelay $0x3  }
0x33: {  	p0 =	seq.s32 s10, $0x1;
	s10 =	sld [smem:$0x3FBA];
	_ =	sdelay $0x3  }
0x34: {  	[smem:$0x3FBA] =	sst s10  }
0x35: {  	s10 =	sld [smem:$0x3FB9];
	_ =	sdelay $0x3  }
0x36: {  	p1 =	seq.s32 s10, $0x1;
	s10 =	sld [smem:$0x3FBA];
	_ =	sdelay $0x3  }
0x37: {  	[smem:$0x3FBA] =	sst s10  }
0x38: {  	s10 =	sld [smem:$0x3FBB]  }
0x39: {  	_ = 	snop;
	(pc) =	sbr.ind lr, $3  }
0x3a: {  	_ = 	snop  }
0x3b: {  	_ = 	snop  }
0x3c: {  	p2 =	seq.s32 s10, $0x1;
	s10 =	sld [smem:$0x3FBA]  }
0x3d: {  	_ =	shalt  }
0x3e: {  	_ =	shalt  }
0x3f: {  	_ =	shalt  }
0x40: {  	_ =	shalt  }
0x41: {  	_ =	shalt  }
0x42: {  	_ =	shalt  }
0x43: {  	_ =	shalt  }
0x44: {  	_ =	shalt  }
0x45: {  	_ =	shalt  }
0x46: {  	_ =	shalt  }
0x47: {  	_ =	shalt  }
0x48: {  	_ =	shalt  }
0x49: {  	_ =	shalt  }
0x4a: {  	_ =	shalt  }
0x4b: {  	_ =	shalt  }
0x4c: {  	_ =	shalt  }
0x4d: {  	_ =	shalt  }
0x4e: {  	_ =	shalt  }
0x4f: {  	_ =	shalt  }
0x50: {  	_ =	shalt  }
0x51: {  	_ =	shalt  }
0x52: {  	_ =	shalt  }
0x53: {  	_ =	shalt  }
0x54: {  	_ =	shalt  }
0x55: {  	_ =	shalt  }
0x56: {  	_ =	shalt  }
0x57: {  	_ =	shalt  }
0x58: {  	_ =	shalt  }
0x59: {  	_ =	shalt  }
0x5a: {  	_ =	shalt  }
0x5b: {  	_ =	shalt  }
0x5c: {  	_ =	shalt  }
0x5d: {  	_ =	shalt  }
0x5e: {  	_ =	shalt  }
0x5f: {  	_ =	shalt  }
0x60: {  	_ =	shalt  }
0x61: {  	_ =	shalt  }
0x62: {  	_ =	shalt  }
0x63: {  	_ =	shalt  }
0x64: {  	_ =	shalt  }
0x65: {  	_ =	shalt  }
0x66: {  	_ =	shalt  }
0x67: {  	_ =	shalt  }
0x68: {  	_ =	shalt  }
0x69: {  	_ =	shalt  }
0x6a: {  	_ =	shalt  }
0x6b: {  	_ =	shalt  }
0x6c: {  	_ =	shalt  }
0x6d: {  	_ =	shalt  }
0x6e: {  	_ =	shalt  }
0x6f: {  	_ =	shalt  }
0x70: {  	_ =	shalt  }
0x71: {  	_ =	shalt  }
0x72: {  	_ =	shalt  }
0x73: {  	_ =	shalt  }
0x74: {  	_ =	shalt  }
0x75: {  	_ =	shalt  }
0x76: {  	_ =	shalt  }
0x77: {  	_ =	shalt  }
0x78: {  	_ =	shalt  }
0x79: {  	_ =	shalt  }
0x7a: {  	_ =	shalt  }
0x7b: {  	_ =	shalt  }
0x7c: {  	_ =	shalt  }
0x7d: {  	_ =	shalt  }
0x7e: {  	_ =	shalt  }
0x7f: {  	_ =	shalt  }
0x80: {  	_ =	shalt  }
0x81: {  	_ =	shalt  }
0x82: {  	_ =	shalt  }
0x83: {  	_ =	shalt  }
0x84: {  	_ =	shalt  }
0x85: {  	_ =	shalt  }
0x86: {  	_ =	shalt  }
0x87: {  	_ =	shalt  }
.Lfunc_end0:
.L_simem_size_0:
called_computation_lowered:
.L_overlay_start_0:
0x88: {  	s2 =	sld [smem:$0x3FD9]  }
0x89: {  	s3 =	sld [smem:$0x3FFE];
	_ =	sdelay $0x1  }
0x8a: {  	s1 =	srdreg.scid  }
0x8b: {  	s0 =	sand.u32 $0x1, s1  }
0x8c: {  	s15 =	sshll.u32 s0, $0xA;
	s2 =	sadd.s32 s3, s2  }
0x8d: {  	s2 =	sadd.s32 s2, s15  }
0x8e: {  	[smem:$0x3FC6] =	sst s2  }
0x8f: {  	_ = 	snop  }
0x90: {  	s2 =	sld [smem:$0x3FD0];
	_ =	sdelay $0x1  }
0x91: {  	s16 =	sld [smem:$0x3FC9]  }
0x92: {  	s5 =	simm.s32 $0xA;
	s6 =	simm.s32 $0x10;
	s4 =	sld [smem:$0x3FC8]  }
0x93: {  	[smem:s6], [sflag:s5] =	dma.local [hbm:s2], $0x1  }
0x94: {  	_ =	swait.eq [sflag:s5], $0x1  }
0x95: {  	[sflag:s5] =	ssyncset.done $0x0  }
0x96: {  	[sflag:s5] =	ssyncadd.s32 $0xFFFFFFFF  }
0x97: {  	s17 =	sld [smem:$0x10];
	(tm) =	ssettm $0x1  }
0x98: {  	s18 =	sld [smem:$0x3FFB];
	_ =	sdelay $0x3  }
0x99: {  	_ =	strace s18  }
0x9a: {  	s5 =	sld [smem:$0x3FFC];
	_ =	sdelay $0x3  }
0x9b: {  	_ =	strace s5  }
0x9c: {  	s5 =	sld [smem:$0x3FFD];
	_ =	sdelay $0x3  }
0x9d: {  	_ =	strace s5  }
0x9e: {  	_ =	strace $0x8FFFFFFF  }
0x9f: {  	s19 =	sld [smem:$0x3FDB];
	_ =	sdelay $0x1  }
0xa0: {  	s20 =	simm.s32 $_scs_section_size  }
0xa1: {  	s7 =	simm.s32 $_size__tile_overlayer_lowered;
	s8 =	simm.s32 $_tile_overlayer_lowered  }
0xa2: {  	s23 =	simm.s32 $0x1BFF;
	s22 =	sshll.u32 s8, $0x1;
	s5 =	sadd.s32 s20, s19  }
0xa3: {  	s9 =	simm.s32 $0x0;
	s21 =	sshll.u32 s7, $0x1;
	s7 =	sadd.s32 s22, s5  }
0xa4: {  	[timem:s9], [sflag:s23] =	dma.local [hbm:s7], s21  }
0xa5: {  	_ =	swait.ge [sflag:s23], s21  }
0xa6: {  	s6 =	ssub.s32 $0x0, s21;
	[sflag:s23] =	ssyncset.done $0x0  }
0xa7: {  	[sflag:s23] =	ssyncadd.s32 s6;
	_ =	sdelay $0x1  }
0xa8: {  	s24 =	simm.s32 $0x1B8B  }
0xa9: {  	_ =	swait.ge [sflag:s24], $0x1  }
0xaa: {  	[sflag:s24] =	ssyncset.done $0x0  }
0xab: {  	s25 =	simm.s32 $0x1B8E;
	[sflag:s24] =	ssyncadd.s32 $0xFFFFFFFF  }
0xac: {  	s26 =	simm.s32 $execute0_lowered;
	[smem:$0x3FD2] =	sst s25  }
0xad: {  	s6 =	sshll.u32 s26, $0x1;
	_ =	strace $0x80000046;
	[dreg:$0x1] =	wrdreg $0xFFFFFFFF  }
0xae: {  	s28 =	simm.s32 $_size_execute0_lowered;
	s5 =	sadd.s32 s5, s6;
	[dreg:$0x0] =	wrdreg $0x0  }
0xaf: {  	s6 =	sshll.u32 s28, $0x1;
	[dreg:$0x2] =	wrdreg s5  }
0xb0: {  	[dreg:$0x3] =	wrdreg s6  }
0xb1: {  	[dreg:$0x4] =	wrdreg $0xC0  }
0xb2: {  	_ =	task [dreg:s9], $0x5FFFF  }
0xb3: {  	[dreg:$0x1] =	wrdreg $0xFFFFFFFF  }
0xb4: {  	[dreg:$0x0] =	wrdreg $0x60  }
0xb5: {  	[dreg:$0x2] =	wrdreg s16  }
0xb6: {  	[dreg:$0x3] =	wrdreg s4  }
0xb7: {  	[dreg:$0x4] =	wrdreg s17  }
0xb8: {  	[dreg:$0x5] =	wrdreg $0x9  }
0xb9: {  	_ =	task.clear_ibuf [dreg:s9], $0x6FFFF;
	_ =	strace $0x90000046  }
0xba: {  	s29 =	simm.s32 $0x9;
	_ =	strace $0x80000048  }
0xbb: {  	_ =	swait.ge [sflag:s29], $0x1  }
0xbc: {  	[sflag:s29] =	ssyncadd.s32 $0xFFFFFFFF  }
0xbd: {  	_ =	strace $0x90000048  }
0xbe: {  	_ =	sfence  }
0xbf: {  	s30 =	sld [smem:$0x0];
	_ =	sdelay $0x2  }
0xc0: {  	s31 =	sshll.u32 s1, $0xD;
	s1 =	sshrl.u32 s1, $0x2  }
0xc1: {  	s3 =	sand.u32 $0x4000, s31;
	s1 =	sadd.s32 s1, s30  }
0xc2: {  	s0 =	sor.u32 s3, s0;
	s1 =	sshll.u32 s1, $0x11  }
0xc3: {  	s0 =	sor.u32 s1, s0  }
0xc4: {  	s0 =	sadd.s32 $0x8F2B, s0  }
0xc5: {  	[sflag:s0] =	ssyncadd.remote.s32 $0x1  }
0xc6: {  	_ =	sfence.sel $0xFFFF  }
0xc7: {  	[dreg:$0x0] =	wrdreg $0xFFFFFFFF;
	(pc) =	sbr.abs _section_cstart, $3  }
0xc8: {  	[dreg:$0x1] =	wrdreg $0xFFFFFFFF  }
0xc9: {  	_ =	task.clear_ibuf [dreg:s9], $0x2FFFF;
	_ =	strace $0x9FFFFFFF  }
0xca: {  	(tm) =	ssettm $0x7FFFFFFF  }
0xcb: {  	_ =	shalt  }
tec
execute0_lowered:
.L_overlay_start_1:
0x0: {  	(tag) =	ssettag $0x1  }
0x1: {  	s4 =	rddreg [dreg:$0x0]  }
0x2: {  	s6 =	rddreg [dreg:$0x2]  }
0x3: {  	s0 =	srdreg.scid;
	s1 =	stileid.u32;
	s5 =	simm.s32 $0x0  }
0x4: {  	s14 =	simm.s32 $0x1000;
	s0 =	sand.u32 $0x1, s0;
	s1 =	sshll.u32 s1, $0x1  }
0x5: {  	s15 =	simm.s32 $0x9000;
	s2 =	ssub.s32 $0x2, s0;
	s0 =	sor.u32 s0, s1  }
0x6: {  	[smem:$0x7FF] =	sst s5;
	s3 =	sshll.u32 s0, $0x12;
	s0 =	sshll.u32 s0, $0x6  }
0x7: {  	_ =	strace $0x80000047;
	s29 =	sadd.s32 s4, s3;
	[dreg:$0x4] =	wrdreg s0  }
.Ltmp0:
0x8: {  	s30 =	sor.u32 $0x2, s0;
	[dreg:$0x5] =	wrdreg s29;
	(pc) =	sbr.rel .LBB2_1-.Ltmp0, $4  }
0x9: {  	s28 =	sshrl.u32 s2, $0x1;
	s0 =	sor.u32 $0x3, s0;
	[dreg:$0x7] =	wrdreg s30  }
0xa: {  	s1 =	ssub.s32 s2, s28;
	s2 =	sadd.s32 $0x1000, s29;
	[dreg:$0x8] =	wrdreg s0  }
0xb: {  	s21 =	simm.s32 $0x4;
	s31 =	smax.u32 s1, $0x1;
	[dreg:$0x6] =	wrdreg s2  }
0xc: {  	s9 =	sadd.s32 $0x800, s6;
	s1 =	simm.s32 $0x0;
	[dreg:$0x9] =	wrdreg s31  }
.LBB2_12:
0xd: {  	s0 =	simm.s32 $0x3  }
0xe: {  	_ =	swait.ge [sflag:s0], $0x4000  }
0xf: {  	[sflag:s0] =	ssyncset.done $0x0  }
0x10: {  	[sflag:s0] =	ssyncadd.s32 $0xFFFFC000  }
0x11: {  	_ =	swait.ge [sflag:s21], $0x4000  }
0x12: {  	s1 =	rddreg [dreg:$0xa]  }
0x13: {  	s31 =	rddreg [dreg:$0x9];
	s1 =	sadd.s32 $0x1, s1  }
0x14: {  	p0 =	sne.s32 s1, s31  }
.Ltmp1:
0x15: {  	_ = 	snop;
	(pc) =	sbr.rel @!p0 .LBB2_13-.Ltmp1, $3  }
0x16: {  	_ =	sdelay $0x1  }
0x17: {  	[sflag:s21] =	ssyncset.done $0x0  }
0x18: {  	[sflag:s21] =	ssyncadd.s32 $0xFFFFC000  }
.LBB2_1:
0x19: {  	[dreg:$0xa] =	wrdreg s1  }
0x1a: {  	s0 =	rddreg [dreg:$0x1];
	s29 =	simm.s32 $0x5  }
0x1b: {  	[tilespmem:s5], [sflag:$0x5] =	stream.linear.gather [hbm4b:s0+s5], $0x1000, $0x38;
	[tilespmem:$0x19000] =	vst v63  }
0x1c: {  	_ =	swait.ge [sflag:s29], $0x1000  }
0x1d: {  	[sflag:s29] =	ssyncset.done $0x0  }
0x1e: {  	s30 =	rddreg [dreg:$0x5];
	[sflag:s29] =	ssyncadd.s32 $0xFFFFF000  }
0x1f: {  	[tilespmem:s14], [sflag:$0x1] =	stream.linear.gather [hbm4b:s30+s5], $0x8000, $0x38;
	[tilespmem:$0x19000] =	vst v63  }
0x20: {  	s23 =	simm.s32 $0x0;
	s31 =	rddreg [dreg:$0x6]  }
0x21: {  	[tilespmem:s15], [sflag:$0x2] =	stream.linear.gather [hbm4b:s31+s5], $0x8000, $0x38;
	[tilespmem:$0x19000] =	vst v63  }
.LBB2_2:
0x22: {  	s0 =	simm.s32 $0x1  }
0x23: {  	_ =	swait.ge [sflag:s0], $0x8000  }
0x24: {  	p0 =	seq.s32 s23, $0x0;
	[sflag:s0] =	ssyncset.done $0x0  }
0x25: {  	s1 =	simm.s32 $0x0;
	[sflag:s0] =	ssyncadd.s32 $0xFFFF8000;
	s0 =	simm.s32 @!p0 $0x3  }
0x26: {  	s2 =	sand.u32 $0x40, s1;
	_ =	swait.ge @!p0 [sflag:s0], $0x4000  }
0x27: {  	s3 =	sand.u32 $0x780, s1;
	s4 =	sor.u32 $0x30, s2;
	[sflag:s0] =	ssyncset.done @!p0 $0x0  }
0x28: {  	s24 =	sor.u32 s4, s3;
	[sflag:s0] =	ssyncadd.s32 @!p0 $0xFFFFC000  }
0x29: {  	v0 =	vld [tilespmem:s24+$0x0]  }
0x2a: {  	s25 =	sor.u32 $0x10, s2;
	v1 =	vld [tilespmem:s1+$0x0]  }
0x2b: {  	s6 =	sor.u32 $0x20, s2;
	s7 =	sor.u32 s25, s3  }
0x2c: {  	s3 =	sor.u32 s6, s3;
	v2 =	vld [tilespmem:s7+$0x0]  }
0x2d: {  	v3 =	vld [tilespmem:s3+$0x0]  }
0x2e: {  	v4 =	vshll.u32 v0, $0x3  }
0x2f: {  	v5 =	vshll.u32 v1, $0x3;
	v0 =	vand.u32 $0x7F, v0;
	v4 =	vand.u32 $0xFFFFFC00, v4  }
0x30: {  	v1 =	vand.u32 $0x7F, v1;
	v6 =	vand.u32 $0xFFFFFC00, v5;
	v5 =	vor.u32 v0, v4  }
0x31: {  	v0 =	vor.u32 v1, v6;
	v1 =	vshll.u32 v2, $0x3  }
0x32: {  	v4 =	vshll.u32 v3, $0x3;
	v2 =	vand.u32 $0x7F, v2;
	v1 =	vand.u32 $0xFFFFFC00, v1  }
0x33: {  	v6 =	vand.u32 $0xFFFFFC00, v4;
	v4 =	vor.u32 v2, v1;
	v1 =	vand.u32 $0x7F, v3  }
0x34: {  	v3 =	vor.u32 v1, v6  }
0x35: {  	v1 =	vld.idx.msk [tilespmem:v5+s14+$0x0], $0xffff  }
0x36: {  	v6 =	vor.u32 $0x80, v5;
	v2 =	vld.idx.msk [tilespmem:v0+s14+$0x0], $0xffff  }
0x37: {  	s1 =	sand.u32 $0x3C00, s1;
	v7 =	vor.u32 $0x80, v0  }
0x38: {  	s26 =	sadd.s32 $0x11000, s1;
	v8 =	vld.idx.msk [tilespmem:v4+s14+$0x0], $0xffff  }
0x39: {  	s8 =	sor.u32 s4, s26;
	v9 =	vor.u32 $0x80, v4;
	v10 =	vld.idx.msk [tilespmem:v3+s14+$0x0], $0xffff  }
0x3a: {  	s1 =	sor.u32 s2, s26;
	v11 =	vor.u32 $0x80, v3;
	[tilespmem:s8+$0x0] =	vst v1  }
0x3b: {  	[tilespmem:s1+$0x0] =	vst v2;
	v1 =	vld.idx.msk [tilespmem:v6+s14+$0x0], $0xffff  }
0x3c: {  	s10 =	sor.u32 s25, s26;
	v2 =	vld.idx.msk [tilespmem:v7+s14+$0x0], $0xffff;
	v6 =	vor.u32 $0x100, v5  }
0x3d: {  	s0 =	sor.u32 s6, s26;
	v7 =	vor.u32 $0x100, v0;
	[tilespmem:s10+$0x0] =	vst v8  }
0x3e: {  	v8 =	vld.idx.msk [tilespmem:v9+s14+$0x0], $0xffff;
	[tilespmem:s0+$0x0] =	vst v10  }
0x3f: {  	v9 =	vor.u32 $0x100, v4;
	v10 =	vld.idx.msk [tilespmem:v11+s14+$0x0], $0xffff  }
0x40: {  	v11 =	vor.u32 $0x100, v3;
	[tilespmem:s8+$0x80] =	vst v1  }
0x41: {  	[tilespmem:s1+$0x80] =	vst v2;
	v1 =	vld.idx.msk [tilespmem:v6+s14+$0x0], $0xffff  }
0x42: {  	v2 =	vld.idx.msk [tilespmem:v7+s14+$0x0], $0xffff;
	v6 =	vor.u32 $0x180, v5  }
0x43: {  	v7 =	vor.u32 $0x180, v0;
	[tilespmem:s10+$0x80] =	vst v8  }
0x44: {  	v8 =	vld.idx.msk [tilespmem:v9+s14+$0x0], $0xffff;
	[tilespmem:s0+$0x80] =	vst v10  }
0x45: {  	s25 =	simm.s32 $0x40;
	v9 =	vor.u32 $0x180, v4;
	v10 =	vld.idx.msk [tilespmem:v11+s14+$0x0], $0xffff  }
0x46: {  	s2 =	sand.u32 $0x40, s25;
	v11 =	vld [tilespmem:s25+$0x0];
	[tilespmem:s8+$0x100] =	vst v1  }
0x47: {  	s12 =	sand.u32 $0x780, s25;
	s13 =	sor.u32 $0x30, s2;
	[tilespmem:s1+$0x100] =	vst v2;
	v1 =	vld.idx.msk [tilespmem:v6+s14+$0x0], $0xffff  }
0x48: {  	s16 =	sor.u32 s13, s12;
	v2 =	vor.u32 $0x180, v3;
	v6 =	vld.idx.msk [tilespmem:v7+s14+$0x0], $0xffff  }
0x49: {  	s17 =	sor.u32 $0x10, s2;
	v7 =	vor.u32 $0x200, v5;
	[tilespmem:s10+$0x100] =	vst v8;
	v8 =	vld [tilespmem:s16+$0x0]  }
0x4a: {  	s18 =	sor.u32 $0x20, s2;
	s11 =	sor.u32 s17, s12;
	v9 =	vld.idx.msk [tilespmem:v9+s14+$0x0], $0xffff  }
0x4b: {  	s3 =	sor.u32 s18, s12;
	v13 =	vld [tilespmem:s11+$0x0];
	v12 =	vor.u32 $0x200, v4;
	v14 =	vshll.u32 v11, $0x3  }
0x4c: {  	v15 =	vld [tilespmem:s3+$0x0];
	[tilespmem:s0+$0x100] =	vst v10;
	v10 =	vor.u32 $0x200, v0;
	v11 =	vand.u32 $0x7F, v11;
	v14 =	vand.u32 $0xFFFFFC00, v14  }
0x4d: {  	p1 =	por $0x0, $0x0;
	s3 =	simm.s32 $0x1;
	v16 =	vld.idx.msk [tilespmem:v2+s14+$0x0], $0xffff;
	[tilespmem:s8+$0x180] =	vst v1;
	v1 =	vor.u32 v11, v14  }
0x4e: {  	s3 =	simm.s32 @!p1 $0x0;
	v11 =	vor.u32 $0x200, v3;
	v7 =	vld.idx.msk [tilespmem:v7+s14+$0x0], $0xffff;
	v2 =	vshll.u32 v8, $0x3  }
0x4f: {  	s3 =	sshll.u32 s3, $0x6;
	v8 =	vand.u32 $0x7F, v8;
	[tilespmem:s10+$0x180] =	vst v9;
	v2 =	vand.u32 $0xFFFFFC00, v2;
	v9 =	vor.u32 $0x280, v5  }
0x50: {  	v14 =	vor.u32 $0x280, v4;
	[tilespmem:s1+$0x180] =	vst v6;
	s1 =	sadd.s32 $0x0, s3;
	v6 =	vld.idx.msk [tilespmem:v12+s14+$0x0], $0xffff;
	v12 =	vshll.u32 v13, $0x3;
	v2 =	vor.u32 v8, v2  }
0x51: {  	s3 =	sadd.s32 $0x30, s1;
	v8 =	vld.idx.msk [tilespmem:v10+s14+$0x0], $0xffff;
	v10 =	vshll.u32 v15, $0x3;
	v13 =	vand.u32 $0x7F, v13;
	v12 =	vand.u32 $0xFFFFFC00, v12  }
0x52: {  	s19 =	sor.u32 $0x200, s3;
	v10 =	vand.u32 $0xFFFFFC00, v10;
	[tilespmem:s0+$0x180] =	vst v16;
	v17 =	vld.idx.msk [tilespmem:v1+s14+$0x0], $0xffff;
	v21 =	vor.u32 v13, v12;
	v12 =	vand.u32 $0x7F, v15  }
0x53: {  	s4 =	sadd.s32 $0x10, s1;
	v11 =	vld.idx.msk [tilespmem:v11+s14+$0x0], $0xffff;
	v10 =	vor.u32 v12, v10;
	[tilespmem:s19+$0x11000] =	vst v7  }
0x54: {  	s20 =	sor.u32 $0x200, s4;
	v7 =	vor.u32 $0x280, v0;
	v9 =	vld.idx.msk [tilespmem:v9+s14+$0x0], $0xffff  }
0x55: {  	s28 =	simm.s32 $0x200;
	s22 =	sor.u32 $0x200, s1;
	v12 =	vor.u32 $0x280, v3;
	v13 =	vld.idx.msk [tilespmem:v2+s14+$0x0], $0xffff;
	[tilespmem:s20+$0x11000] =	vst v6  }
0x56: {  	s26 =	sand.u32 $0x3C00, s28;
	s10 =	sadd.s32 $0x20, s1;
	[tilespmem:s22+$0x11000] =	vst v8;
	v8 =	vor.u32 $0x80, v1;
	v6 =	vld.idx.msk [tilespmem:v14+s14+$0x0], $0xffff  }
0x57: {  	s8 =	sadd.s32 $0x11000, s26;
	s24 =	sor.u32 $0x200, s10;
	v14 =	vor.u32 $0x300, v5;
	v15 =	vld.idx.msk [tilespmem:v21+s14+$0x0], $0xffff  }
0x58: {  	s31 =	sor.u32 s2, s8;
	v16 =	vor.u32 $0x80, v2;
	[tilespmem:s24+$0x11000] =	vst v11;
	v18 =	vld.idx.msk [tilespmem:v10+s14+$0x0], $0xffff  }
0x59: {  	s12 =	sor.u32 $0x280, s3;
	v19 =	vor.u32 $0x80, v21;
	[tilespmem:s31+$0x0] =	vst v17;
	v22 =	vld.idx.msk [tilespmem:v7+s14+$0x0], $0xffff  }
0x5a: {  	s22 =	sor.u32 s13, s8;
	v7 =	vor.u32 $0x80, v10;
	v11 =	vld.idx.msk [tilespmem:v12+s14+$0x0], $0xffff;
	[tilespmem:s12+$0x11000] =	vst v9  }
0x5b: {  	s13 =	sor.u32 $0x280, s4;
	v9 =	vor.u32 $0x300, v4;
	[tilespmem:s22+$0x0] =	vst v13;
	v8 =	vld.idx.msk [tilespmem:v8+s14+$0x0], $0xffff  }
0x5c: {  	s7 =	sor.u32 s17, s8;
	v13 =	vor.u32 $0x300, v3;
	v12 =	vld.idx.msk [tilespmem:v14+s14+$0x0], $0xffff;
	[tilespmem:s13+$0x11000] =	vst v6  }
0x5d: {  	s2 =	sor.u32 s18, s8;
	v5 =	vor.u32 $0x380, v5;
	v16 =	vld.idx.msk [tilespmem:v16+s14+$0x0], $0xffff;
	[tilespmem:s7+$0x0] =	vst v15  }
0x5e: {  	s16 =	sor.u32 $0x280, s10;
	v17 =	vor.u32 $0x100, v2;
	v15 =	vld.idx.msk [tilespmem:v19+s14+$0x0], $0xffff;
	[tilespmem:s2+$0x0] =	vst v18  }
0x5f: {  	v19 =	vor.u32 $0x100, v1;
	[tilespmem:s16+$0x11000] =	vst v11;
	v7 =	vld.idx.msk [tilespmem:v7+s14+$0x0], $0xffff  }
0x60: {  	s17 =	sor.u32 $0x300, s3;
	v6 =	vor.u32 $0x100, v21;
	v23 =	vld.idx.msk [tilespmem:v9+s14+$0x0], $0xffff;
	[tilespmem:s31+$0x80] =	vst v8  }
0x61: {  	v20 =	vor.u32 $0x100, v10;
	v14 =	vld.idx.msk [tilespmem:v13+s14+$0x0], $0xffff;
	[tilespmem:s17+$0x11000] =	vst v12  }
0x62: {  	[tilespmem:s22+$0x80] =	vst v16;
	v16 =	vor.u32 $0x300, v0;
	v24 =	vld.idx.msk [tilespmem:v5+s14+$0x0], $0xffff  }
0x63: {  	v25 =	vor.u32 $0x380, v4;
	v18 =	vld.idx.msk [tilespmem:v17+s14+$0x0], $0xffff;
	[tilespmem:s7+$0x80] =	vst v15  }
0x64: {  	s18 =	sor.u32 $0x280, s1;
	v4 =	vor.u32 $0x380, v21;
	v17 =	vld.idx.msk [tilespmem:v19+s14+$0x0], $0xffff;
	s0 =	rddreg [dreg:$0x4];
	[tilespmem:s2+$0x80] =	vst v7  }
0x65: {  	s29 =	sor.u32 $0x380, s1;
	s30 =	sor.u32 $0x380, s10;
	v11 =	vor.u32 $0x200, v21;
	v13 =	vor.u32 $0x180, v21;
	v19 =	vld.idx.msk [tilespmem:v6+s14+$0x0], $0xffff;
	[tilespmem:s18+$0x11000] =	vst v22;
	v22 =	vor.u32 $0x180, v2  }
0x66: {  	s19 =	sor.u32 $0x300, s4;
	s8 =	sor.u32 $0x380, s4;
	s20 =	sor.u32 $0x380, s3;
	v8 =	vor.u32 $0x280, v21;
	v6 =	vor.u32 $0x300, v21;
	v21 =	vor.u32 $0x180, v1;
	v20 =	vld.idx.msk [tilespmem:v20+s14+$0x0], $0xffff  }
0x67: {  	s3 =	simm.s32 $0x80;
	s24 =	sshll.u32 s23, $0x1;
	s12 =	sor.u32 $0x300, s1;
	v3 =	vor.u32 $0x380, v3;
	v9 =	vor.u32 $0x200, v10;
	v12 =	vor.u32 $0x180, v10;
	[tilespmem:s19+$0x11000] =	vst v23;
	v15 =	vld.idx.msk [tilespmem:v16+s14+$0x0], $0xffff  }
0x68: {  	s13 =	sor.u32 $0x300, s10;
	v5 =	vor.u32 $0x300, v10;
	v7 =	vor.u32 $0x280, v10;
	v10 =	vor.u32 $0x380, v10;
	s26 =	sor.u32 s0, s24;
	s0 =	simm.s32 $0x4;
	v16 =	vld.idx.msk [tilespmem:v25+s14+$0x0], $0xffff;
	[tilespmem:s20+$0x11000] =	vst v24  }
.LBB2_3:
0x69: {  	v23 =	vld [tilespmem:s3+$0x0];
	[tilespmem:s22+$0x100] =	vst v18;
	s25 =	sadd.s32 $0x40, s25  }
0x6a: {  	s0 =	sadd.s32 $0x4, s0;
	s11 =	sand.u32 $0x40, s25;
	[tilespmem:s31+$0x100] =	vst v17;
	v17 =	vld.idx.msk [tilespmem:v22+s14+$0x0], $0xffff  }
0x6b: {  	s6 =	sand.u32 $0x780, s25;
	p2 =	slt.u32 s0, $0x7C;
	s1 =	sor.u32 $0x30, s11;
	v18 =	vld.idx.msk [tilespmem:v21+s14+$0x0], $0xffff;
	[tilespmem:s7+$0x100] =	vst v19  }
0x6c: {  	s10 =	sor.u32 $0x10, s11;
	s4 =	sor.u32 $0x20, s11;
	v19 =	vor.u32 $0x200, v2;
	s16 =	sor.u32 s1, s6;
	v13 =	vld.idx.msk [tilespmem:v13+s14+$0x0], $0xffff;
	[tilespmem:s2+$0x100] =	vst v20  }
0x6d: {  	v21 =	vor.u32 $0x200, v1;
	s17 =	sor.u32 s10, s6;
	s6 =	sor.u32 s4, s6;
	v20 =	vld [tilespmem:s16+$0x0];
	[tilespmem:s13+$0x11000] =	vst v14  }
0x6e: {  	v14 =	vld [tilespmem:s17+$0x0];
	[tilespmem:s12+$0x11000] =	vst v15  }
0x6f: {  	v15 =	vshll.u32 v23, $0x3;
	v22 =	vld [tilespmem:s6+$0x0];
	[tilespmem:s8+$0x11000] =	vst v16  }
0x70: {  	v16 =	vand.u32 $0x7F, v23;
	v15 =	vand.u32 $0xFFFFFC00, v15;
	v12 =	vld.idx.msk [tilespmem:v12+s14+$0x0], $0xffff;
	[tilespmem:s22+$0x180] =	vst v17;
	v17 =	vor.u32 $0x380, v0;
	v0 =	vmovc v1  }
0x71: {  	p1 =	por !p1, !p1;
	s6 =	simm.s32 $0x1;
	v1 =	vor.u32 v16, v15;
	[tilespmem:s31+$0x180] =	vst v18;
	v15 =	vld.idx.msk [tilespmem:v19+s14+$0x0], $0xffff  }
0x72: {  	s6 =	simm.s32 @!p1 $0x0;
	v16 =	vshll.u32 v20, $0x3;
	v18 =	vld.idx.msk [tilespmem:v21+s14+$0x0], $0xffff;
	[tilespmem:s7+$0x180] =	vst v13  }
0x73: {  	s6 =	sshll.u32 s6, $0x6;
	v13 =	vand.u32 $0x7F, v20;
	v16 =	vand.u32 $0xFFFFFC00, v16;
	v19 =	vld.idx.msk [tilespmem:v11+s14+$0x0], $0xffff;
	v11 =	vor.u32 $0x280, v2  }
0x74: {  	s7 =	sadd.s32 s6, s28;
	v20 =	vshll.u32 v14, $0x3;
	v21 =	vshll.u32 v22, $0x3;
	v16 =	vor.u32 v13, v16;
	v23 =	vld.idx.msk [tilespmem:v3+s14+$0x0], $0xffff;
	v3 =	vmovc v10  }
0x75: {  	s8 =	sadd.s32 $0x10, s7;
	s22 =	sadd.s32 $0x20, s7;
	s6 =	sadd.s32 $0x30, s7;
	v10 =	vand.u32 $0x7F, v14;
	v13 =	vand.u32 $0xFFFFFC00, v20;
	v14 =	vand.u32 $0xFFFFFC00, v21;
	v17 =	vld.idx.msk [tilespmem:v17+s14+$0x0], $0xffff  }
0x76: {  	s31 =	sor.u32 $0x200, s8;
	s12 =	sor.u32 $0x200, s6;
	v10 =	vor.u32 v10, v13;
	v13 =	vand.u32 $0x7F, v22;
	v21 =	vor.u32 $0x280, v0;
	v20 =	vld.idx.msk [tilespmem:v1+s14+$0x0], $0xffff;
	[tilespmem:s2+$0x180] =	vst v12;
	s2 =	sor.u32 $0x200, s22  }
0x77: {  	s13 =	sor.u32 $0x200, s7;
	s19 =	sor.u32 $0x280, s8;
	s16 =	sor.u32 $0x280, s22;
	v22 =	vor.u32 $0x80, v10;
	v24 =	vor.u32 $0x100, v10;
	v14 =	vor.u32 v13, v14;
	v25 =	vld.idx.msk [tilespmem:v9+s14+$0x0], $0xffff;
	[tilespmem:s12+$0x11000] =	vst v15  }
0x78: {  	s18 =	sor.u32 $0x280, s7;
	s17 =	sor.u32 $0x300, s8;
	v13 =	vor.u32 $0x180, v10;
	v15 =	vor.u32 $0x80, v14;
	v26 =	vor.u32 $0x100, v14;
	[tilespmem:s13+$0x11000] =	vst v18;
	s13 =	sor.u32 $0x300, s22;
	v18 =	vld.idx.msk [tilespmem:v11+s14+$0x0], $0xffff  }
0x79: {  	s8 =	sor.u32 $0x380, s8;
	v12 =	vor.u32 $0x180, v14;
	v9 =	vor.u32 $0x200, v14;
	s12 =	sor.u32 $0x300, s7;
	v11 =	vor.u32 $0x200, v10;
	s22 =	sor.u32 $0x380, s22;
	v27 =	vld.idx.msk [tilespmem:v16+s14+$0x0], $0xffff;
	[tilespmem:s31+$0x11000] =	vst v19  }
0x7a: {  	v29 =	vor.u32 $0x300, v2;
	s7 =	sor.u32 $0x380, s7;
	v19 =	vor.u32 $0x280, v14;
	v28 =	vld.idx.msk [tilespmem:v8+s14+$0x0], $0xffff;
	v8 =	vor.u32 $0x280, v10;
	[tilespmem:s30+$0x11000] =	vst v23;
	s30 =	smov.u32 s22  }
0x7b: {  	s28 =	sadd.s32 $0x200, s28;
	v32 =	vor.u32 $0x80, v16;
	v30 =	vor.u32 $0x300, v10;
	v31 =	vor.u32 $0x300, v14;
	v23 =	vld.idx.msk [tilespmem:v10+s14+$0x0], $0xffff;
	[tilespmem:s29+$0x11000] =	vst v17;
	s29 =	smov.u32 s7  }
0x7c: {  	v33 =	vor.u32 $0x380, v10;
	s7 =	sand.u32 $0x3C00, s28;
	v17 =	vor.u32 $0x80, v1;
	v10 =	vor.u32 $0x380, v14;
	v34 =	vld.idx.msk [tilespmem:v14+s14+$0x0], $0xffff  }
0x7d: {  	s20 =	sadd.s32 $0x11000, s7;
	v35 =	vld.idx.msk [tilespmem:v21+s14+$0x0], $0xffff;
	[tilespmem:s2+$0x11000] =	vst v25;
	s2 =	sor.u32 $0x280, s6  }
0x7e: {  	s31 =	sor.u32 s11, s20;
	s7 =	sor.u32 s10, s20;
	s22 =	sor.u32 s1, s20;
	v14 =	vld.idx.msk [tilespmem:v7+s14+$0x0], $0xffff;
	[tilespmem:s2+$0x11000] =	vst v18;
	v7 =	vmov v19  }
0x7f: {  	s2 =	sor.u32 s4, s20;
	[tilespmem:s22+$0x0] =	vst v27;
	v18 =	vld.idx.msk [tilespmem:v29+s14+$0x0], $0xffff  }
0x80: {  	[tilespmem:s31+$0x0] =	vst v20;
	v19 =	vld.idx.msk [tilespmem:v32+s14+$0x0], $0xffff  }
0x81: {  	v20 =	vor.u32 $0x380, v2;
	v2 =	vmov v16;
	v17 =	vld.idx.msk [tilespmem:v17+s14+$0x0], $0xffff;
	[tilespmem:s7+$0x0] =	vst v23  }
0x82: {  	v21 =	vor.u32 $0x100, v2;
	v16 =	vld.idx.msk [tilespmem:v22+s14+$0x0], $0xffff;
	[tilespmem:s2+$0x0] =	vst v34  }
0x83: {  	v22 =	vor.u32 $0x100, v1;
	v15 =	vld.idx.msk [tilespmem:v15+s14+$0x0], $0xffff;
	[tilespmem:s19+$0x11000] =	vst v28  }
0x84: {  	s1 =	sor.u32 $0x300, s6;
	v23 =	vld.idx.msk [tilespmem:v6+s14+$0x0], $0xffff;
	[tilespmem:s16+$0x11000] =	vst v14;
	v6 =	vmov v30  }
0x85: {  	v14 =	vld.idx.msk [tilespmem:v5+s14+$0x0], $0xffff;
	[tilespmem:s1+$0x11000] =	vst v18;
	v5 =	vmov v31  }
0x86: {  	v25 =	vor.u32 $0x300, v0;
	[tilespmem:s22+$0x80] =	vst v19;
	v27 =	vld.idx.msk [tilespmem:v20+s14+$0x0], $0xffff  }
0x87: {  	[tilespmem:s31+$0x80] =	vst v17;
	v18 =	vld.idx.msk [tilespmem:v21+s14+$0x0], $0xffff  }
.Ltmp2:
0x88: {  	v17 =	vld.idx.msk [tilespmem:v22+s14+$0x0], $0xffff;
	[tilespmem:s7+$0x80] =	vst v16;
	(pc) =	sbr.rel @p2 .LBB2_3-.Ltmp2, $4  }
0x89: {  	v22 =	vor.u32 $0x180, v2;
	v19 =	vld.idx.msk [tilespmem:v24+s14+$0x0], $0xffff;
	[tilespmem:s2+$0x80] =	vst v15  }
0x8a: {  	v21 =	vor.u32 $0x180, v1;
	v20 =	vld.idx.msk [tilespmem:v26+s14+$0x0], $0xffff;
	[tilespmem:s18+$0x11000] =	vst v35  }
0x8b: {  	s1 =	sor.u32 $0x380, s6;
	v15 =	vld.idx.msk [tilespmem:v25+s14+$0x0], $0xffff;
	[tilespmem:s17+$0x11000] =	vst v23  }
0x8c: {  	s3 =	sadd.s32 $0x40, s3;
	v16 =	vld.idx.msk [tilespmem:v4+s14+$0x0], $0xffff;
	[tilespmem:s1+$0x11000] =	vst v27;
	v4 =	vmov v33  }
0x8d: {  	_ =	sdelay $0x2  }
0x8e: {  	[tilespmem:s22+$0x100] =	vst v18  }
0x8f: {  	v18 =	vld.idx.msk [tilespmem:v22+s14+$0x0], $0xffff;
	[tilespmem:s7+$0x100] =	vst v19  }
0x90: {  	[tilespmem:s31+$0x100] =	vst v17;
	v19 =	vor.u32 $0x200, v2;
	v13 =	vld.idx.msk [tilespmem:v13+s14+$0x0], $0xffff  }
0x91: {  	v17 =	vld.idx.msk [tilespmem:v21+s14+$0x0], $0xffff;
	[tilespmem:s2+$0x100] =	vst v20  }
0x92: {  	v20 =	vor.u32 $0x200, v1;
	v12 =	vld.idx.msk [tilespmem:v12+s14+$0x0], $0xffff;
	_ =	sdelay $0x1  }
0x93: {  	p1 =	por !p1, !p1;
	s0 =	simm.s32 $0x1;
	[tilespmem:s22+$0x180] =	vst v18  }
0x94: {  	s0 =	simm.s32 @!p1 $0x0;
	v18 =	vld.idx.msk [tilespmem:v19+s14+$0x0], $0xffff;
	[tilespmem:s7+$0x180] =	vst v13  }
0x95: {  	s0 =	sshll.u32 s0, $0x6;
	[tilespmem:s31+$0x180] =	vst v17;
	v13 =	vor.u32 $0x280, v2;
	v11 =	vld.idx.msk [tilespmem:v11+s14+$0x0], $0xffff  }
0x96: {  	s0 =	sadd.s32 s0, s28;
	[tilespmem:s2+$0x180] =	vst v12;
	v12 =	vld.idx.msk [tilespmem:v20+s14+$0x0], $0xffff  }
0x97: {  	s1 =	sadd.s32 $0x30, s0;
	v17 =	vor.u32 $0x280, v1;
	v9 =	vld.idx.msk [tilespmem:v9+s14+$0x0], $0xffff  }
0x98: {  	s3 =	sor.u32 $0x200, s1;
	s7 =	sadd.s32 $0x10, s0  }
0x99: {  	s6 =	sor.u32 $0x200, s7;
	[tilespmem:s3+$0x11000] =	vst v18  }
0x9a: {  	s4 =	sadd.s32 $0x20, s0;
	s11 =	sor.u32 $0x200, s0;
	v13 =	vld.idx.msk [tilespmem:v13+s14+$0x0], $0xffff;
	[tilespmem:s6+$0x11000] =	vst v11  }
0x9b: {  	s10 =	sor.u32 $0x200, s4;
	v11 =	vor.u32 $0x300, v2;
	[tilespmem:s11+$0x11000] =	vst v12;
	v8 =	vld.idx.msk [tilespmem:v8+s14+$0x0], $0xffff  }
0x9c: {  	[tilespmem:s10+$0x11000] =	vst v9;
	v9 =	vld.idx.msk [tilespmem:v17+s14+$0x0], $0xffff  }
0x9d: {  	v12 =	vor.u32 $0x300, v1;
	v7 =	vld.idx.msk [tilespmem:v7+s14+$0x0], $0xffff  }
0x9e: {  	[tilespmem:s13+$0x11000] =	vst v14;
	s13 =	sor.u32 $0x280, s1  }
0x9f: {  	s16 =	sor.u32 $0x280, s7;
	[tilespmem:s13+$0x11000] =	vst v13  }
0xa0: {  	v0 =	vor.u32 $0x380, v0;
	s18 =	sor.u32 $0x280, s0;
	v11 =	vld.idx.msk [tilespmem:v11+s14+$0x0], $0xffff;
	[tilespmem:s16+$0x11000] =	vst v8  }
0xa1: {  	s17 =	sor.u32 $0x280, s4;
	v2 =	vor.u32 $0x380, v2;
	[tilespmem:s18+$0x11000] =	vst v9;
	v6 =	vld.idx.msk [tilespmem:v6+s14+$0x0], $0xffff  }
0xa2: {  	[tilespmem:s17+$0x11000] =	vst v7;
	v7 =	vld.idx.msk [tilespmem:v12+s14+$0x0], $0xffff  }
0xa3: {  	[tilespmem:s12+$0x11000] =	vst v15;
	v1 =	vor.u32 $0x380, v1;
	v5 =	vld.idx.msk [tilespmem:v5+s14+$0x0], $0xffff  }
0xa4: {  	v3 =	vld.idx.msk [tilespmem:v3+s14+$0x0], $0xffff;
	[tilespmem:s8+$0x11000] =	vst v16;
	s19 =	sor.u32 $0x300, s1  }
0xa5: {  	v0 =	vld.idx.msk [tilespmem:v0+s14+$0x0], $0xffff;
	s20 =	sor.u32 $0x300, s7;
	[tilespmem:s19+$0x11000] =	vst v11  }
0xa6: {  	s25 =	sor.u32 $0x300, s0;
	v2 =	vld.idx.msk [tilespmem:v2+s14+$0x0], $0xffff;
	[tilespmem:s20+$0x11000] =	vst v6  }
0xa7: {  	s22 =	sor.u32 $0x300, s4;
	[tilespmem:s25+$0x11000] =	vst v7;
	v4 =	vld.idx.msk [tilespmem:v4+s14+$0x0], $0xffff  }
0xa8: {  	[tilespmem:s22+$0x11000] =	vst v5;
	v1 =	vld.idx.msk [tilespmem:v1+s14+$0x0], $0xffff  }
0xa9: {  	[tilespmem:s30+$0x11000] =	vst v3;
	v5 =	vld.idx.msk [tilespmem:v10+s14+$0x0], $0xffff  }
0xaa: {  	s1 =	sor.u32 $0x380, s1;
	[tilespmem:s29+$0x11000] =	vst v0  }
0xab: {  	s2 =	sor.u32 $0x380, s7;
	[tilespmem:s1+$0x11000] =	vst v2  }
0xac: {  	s0 =	sor.u32 $0x380, s0;
	[tilespmem:s2+$0x11000] =	vst v4  }
0xad: {  	s7 =	rddreg [dreg:$0x2];
	s6 =	sor.u32 $0x380, s4;
	s25 =	sshll.u32 s26, $0xC;
	[tilespmem:s0+$0x11000] =	vst v1  }
0xae: {  	s8 =	simm.s32 $0x11000;
	s0 =	sadd.s32 s7, s25;
	[tilespmem:s6+$0x11000] =	vst v5  }
0xaf: {  	[hbm4b:s0+s5] =	stream.linear.scatter [tilespmem:s8], [sflag:$0x3], $0x4000, $0x38;
	[tilespmem:$0x19000] =	vst v63  }
0xb0: {  	s0 =	simm.s32 @!p0 $0x4  }
0xb1: {  	_ =	swait.ge @!p0 [sflag:s0], $0x4000  }
0xb2: {  	[sflag:s0] =	ssyncset.done @!p0 $0x0  }
0xb3: {  	s11 =	simm.s32 $0x0;
	s10 =	simm.s32 $0x830;
	[sflag:s0] =	ssyncadd.s32 @!p0 $0xFFFFC000  }
0xb4: {  	s12 =	sand.u32 $0x7C0, s11;
	v0 =	vld [tilespmem:s10+$0xFFFFFFE0]  }
0xb5: {  	v1 =	vld [tilespmem:s12+$0x800];
	_ =	sdelay $0x1  }
0xb6: {  	v4 =	vld [tilespmem:s10+$0xFFFFFFF0];
	_ =	sdelay $0x1  }
0xb7: {  	v5 =	vld [tilespmem:s10+$0x0]  }
0xb8: {  	v2 =	vshll.u32 v0, $0x3;
	v3 =	vshll.u32 v1, $0x3  }
0xb9: {  	v0 =	vand.u32 $0x7F, v0;
	v1 =	vand.u32 $0x7F, v1;
	v3 =	vand.u32 $0xFFFFFC00, v3  }
0xba: {  	v6 =	vshll.u32 v4, $0x3;
	v2 =	vand.u32 $0xFFFFFC00, v2;
	v3 =	vor.u32 v1, v3  }
0xbb: {  	v2 =	vor.u32 v0, v2;
	v0 =	vand.u32 $0x7F, v4;
	v1 =	vand.u32 $0xFFFFFC00, v6  }
0xbc: {  	v4 =	vshll.u32 v5, $0x3;
	v0 =	vor.u32 v0, v1  }
0xbd: {  	v1 =	vand.u32 $0x7F, v5;
	v4 =	vand.u32 $0xFFFFFC00, v4  }
0xbe: {  	v1 =	vor.u32 v1, v4  }
0xbf: {  	v4 =	vld.idx.msk [tilespmem:v3+s14+$0x0], $0xffff  }
0xc0: {  	v6 =	vor.u32 $0x80, v3;
	v5 =	vld.idx.msk [tilespmem:v2+s14+$0x0], $0xffff  }
0xc1: {  	s30 =	sand.u32 $0x3C00, s11;
	v8 =	vor.u32 $0x80, v2;
	v7 =	vld.idx.msk [tilespmem:v0+s14+$0x0], $0xffff  }
0xc2: {  	s31 =	sand.u32 $0x40, s11;
	s13 =	sadd.s32 $0x15000, s30;
	v9 =	vor.u32 $0x80, v0  }
0xc3: {  	s29 =	sor.u32 $0x10, s31;
	s1 =	sor.u32 s31, s13;
	v10 =	vld.idx.msk [tilespmem:v1+s14+$0x0], $0xffff  }
0xc4: {  	s16 =	sor.u32 s29, s13;
	s26 =	sor.u32 $0x20, s31;
	v11 =	vor.u32 $0x80, v1;
	[tilespmem:s1+$0x0] =	vst v4  }
0xc5: {  	s17 =	sor.u32 s26, s13;
	[tilespmem:s16+$0x0] =	vst v5;
	v4 =	vld.idx.msk [tilespmem:v6+s14+$0x0], $0xffff  }
0xc6: {  	s28 =	sor.u32 $0x30, s31;
	v5 =	vld.idx.msk [tilespmem:v8+s14+$0x0], $0xffff;
	[tilespmem:s17+$0x0] =	vst v7;
	v6 =	vor.u32 $0x100, v3  }
0xc7: {  	s0 =	sor.u32 s28, s13;
	v8 =	vor.u32 $0x100, v2;
	v7 =	vld.idx.msk [tilespmem:v9+s14+$0x0], $0xffff  }
0xc8: {  	s18 =	sadd.s32 $0x15080, s30;
	[tilespmem:s0+$0x0] =	vst v10;
	v9 =	vor.u32 $0x100, v0  }
0xc9: {  	s19 =	simm.s32 $0x870;
	s20 =	sor.u32 s31, s18;
	v10 =	vld.idx.msk [tilespmem:v11+s14+$0x0], $0xffff  }
0xca: {  	s22 =	sor.u32 s29, s18;
	v13 =	vld [tilespmem:s19+$0x0];
	[tilespmem:s20+$0x0] =	vst v4  }
0xcb: {  	s4 =	sor.u32 s26, s18;
	v12 =	vor.u32 $0x100, v1;
	[tilespmem:s22+$0x0] =	vst v5;
	v4 =	vld.idx.msk [tilespmem:v6+s14+$0x0], $0xffff  }
0xcc: {  	v5 =	vld.idx.msk [tilespmem:v8+s14+$0x0], $0xffff;
	[tilespmem:s4+$0x0] =	vst v7;
	v6 =	vor.u32 $0x180, v3  }
0xcd: {  	s0 =	sor.u32 s28, s18;
	v8 =	vor.u32 $0x180, v2;
	v7 =	vld.idx.msk [tilespmem:v9+s14+$0x0], $0xffff  }
0xce: {  	s6 =	sadd.s32 $0x15100, s30;
	v11 =	vld [tilespmem:s19+$0xFFFFFFE0];
	[tilespmem:s0+$0x0] =	vst v10;
	v10 =	vor.u32 $0x180, v0  }
0xcf: {  	s7 =	sor.u32 s31, s6;
	v9 =	vld [tilespmem:s19+$0xFFFFFFF0]  }
0xd0: {  	s8 =	sor.u32 s29, s6;
	v12 =	vld.idx.msk [tilespmem:v12+s14+$0x0], $0xffff;
	[tilespmem:s7+$0x0] =	vst v4  }
0xd1: {  	s10 =	sor.u32 s26, s6;
	v4 =	vor.u32 $0x180, v1;
	[tilespmem:s8+$0x0] =	vst v5;
	v14 =	vld.idx.msk [tilespmem:v6+s14+$0x0], $0xffff  }
0xd2: {  	s0 =	simm.s32 $0x40;
	v5 =	vld.idx.msk [tilespmem:v8+s14+$0x0], $0xffff;
	[tilespmem:s10+$0x0] =	vst v7  }
0xd3: {  	s11 =	sand.u32 $0x7C0, s0;
	v7 =	vor.u32 $0x200, v3;
	v8 =	vld.idx.msk [tilespmem:v10+s14+$0x0], $0xffff  }
0xd4: {  	s2 =	sor.u32 s28, s6;
	v15 =	vor.u32 $0x200, v2;
	v6 =	vshll.u32 v11, $0x3;
	v10 =	vld [tilespmem:s11+$0x800]  }
0xd5: {  	s12 =	sadd.s32 $0x15180, s30;
	v11 =	vand.u32 $0x7F, v11;
	[tilespmem:s2+$0x0] =	vst v12;
	v6 =	vand.u32 $0xFFFFFC00, v6;
	v12 =	vor.u32 $0x200, v0  }
0xd6: {  	s13 =	sor.u32 s31, s12;
	v6 =	vor.u32 v11, v6;
	v16 =	vld.idx.msk [tilespmem:v4+s14+$0x0], $0xffff;
	v4 =	vand.u32 $0x7F, v9;
	v9 =	vshll.u32 v9, $0x3  }
0xd7: {  	s16 =	sor.u32 s29, s12;
	v11 =	vshll.u32 v13, $0x3;
	v9 =	vand.u32 $0xFFFFFC00, v9;
	[tilespmem:s13+$0x0] =	vst v14;
	v14 =	vor.u32 $0x200, v1  }
0xd8: {  	s17 =	sor.u32 s26, s12;
	v11 =	vand.u32 $0xFFFFFC00, v11;
	[tilespmem:s16+$0x0] =	vst v5;
	v4 =	vor.u32 v4, v9;
	v9 =	vand.u32 $0x7F, v13;
	v17 =	vld.idx.msk [tilespmem:v7+s14+$0x0], $0xffff  }
0xd9: {  	v7 =	vshll.u32 v10, $0x3;
	[tilespmem:s17+$0x0] =	vst v8;
	v5 =	vor.u32 v9, v11;
	v9 =	vld.idx.msk [tilespmem:v15+s14+$0x0], $0xffff  }
0xda: {  	s1 =	sor.u32 s28, s12;
	v8 =	vand.u32 $0x7F, v10;
	v10 =	vor.u32 $0x280, v3;
	v7 =	vand.u32 $0xFFFFFC00, v7;
	v11 =	vld.idx.msk [tilespmem:v12+s14+$0x0], $0xffff  }
0xdb: {  	v12 =	vld.idx.msk [tilespmem:v6+s14+$0x0], $0xffff;
	v7 =	vor.u32 v8, v7;
	[tilespmem:s1+$0x0] =	vst v16  }
0xdc: {  	s18 =	sadd.s32 $0x15200, s30;
	v8 =	vor.u32 $0x280, v2;
	v16 =	vld.idx.msk [tilespmem:v14+s14+$0x0], $0xffff  }
0xdd: {  	v18 =	vor.u32 $0x280, v0;
	s19 =	sor.u32 s31, s18;
	v13 =	vld.idx.msk [tilespmem:v4+s14+$0x0], $0xffff  }
0xde: {  	v20 =	vor.u32 $0x280, v1;
	s20 =	sor.u32 s29, s18;
	[tilespmem:s19+$0x0] =	vst v17;
	v14 =	vld.idx.msk [tilespmem:v5+s14+$0x0], $0xffff  }
0xdf: {  	s22 =	sor.u32 s26, s18;
	v15 =	vld.idx.msk [tilespmem:v10+s14+$0x0], $0xffff;
	[tilespmem:s20+$0x0] =	vst v9  }
0xe0: {  	s1 =	sor.u32 s28, s18;
	[tilespmem:s22+$0x0] =	vst v11;
	v17 =	vld.idx.msk [tilespmem:v7+s14+$0x0], $0xffff  }
0xe1: {  	v11 =	vld.idx.msk [tilespmem:v8+s14+$0x0], $0xffff;
	[tilespmem:s1+$0x0] =	vst v16;
	v16 =	vor.u32 $0x300, v3  }
0xe2: {  	s3 =	simm.s32 $0x4;
	s8 =	simm.s32 $0x200;
	v19 =	vor.u32 $0x80, v7;
	v9 =	vld.idx.msk [tilespmem:v18+s14+$0x0], $0xffff  }
0xe3: {  	s12 =	simm.s32 $0x8B0;
	s2 =	sand.u32 $0x3C00, s8;
	v18 =	vor.u32 $0x80, v6;
	s1 =	sadd.s32 $0x15280, s30;
	v8 =	vld.idx.msk [tilespmem:v20+s14+$0x0], $0xffff  }
.LBB2_5:
0xe4: {  	v20 =	vld [tilespmem:s12+$0xFFFFFFE0];
	s4 =	sand.u32 $0x40, s0;
	s11 =	sadd.s32 $0x15000, s2;
	v21 =	vor.u32 $0x80, v4;
	s10 =	sor.u32 s31, s1  }
0xe5: {  	v22 =	vor.u32 $0x80, v5;
	v10 =	vld [tilespmem:s12+$0xFFFFFFF0];
	s13 =	sor.u32 s4, s11;
	s6 =	sor.u32 $0x10, s4;
	s7 =	sor.u32 $0x20, s4;
	[tilespmem:s10+$0x0] =	vst v15  }
0xe6: {  	s10 =	sor.u32 $0x30, s4;
	[tilespmem:s13+$0x0] =	vst v17;
	s13 =	sor.u32 s6, s11;
	s16 =	sor.u32 s7, s11;
	v15 =	vld.idx.msk [tilespmem:v16+s14+$0x0], $0xffff;
	v16 =	vor.u32 $0x300, v2  }
0xe7: {  	s17 =	sor.u32 s26, s1;
	s11 =	sor.u32 s10, s11;
	v17 =	vld.idx.msk [tilespmem:v19+s14+$0x0], $0xffff;
	[tilespmem:s13+$0x0] =	vst v12;
	s13 =	sor.u32 s29, s1;
	v12 =	vor.u32 $0x300, v0  }
0xe8: {  	s1 =	sor.u32 s28, s1;
	v18 =	vld.idx.msk [tilespmem:v18+s14+$0x0], $0xffff;
	[tilespmem:s16+$0x0] =	vst v13;
	v13 =	vor.u32 $0x380, v3;
	v3 =	vmov v7  }
0xe9: {  	v7 =	vor.u32 $0x100, v3;
	v19 =	vld.idx.msk [tilespmem:v21+s14+$0x0], $0xffff;
	[tilespmem:s11+$0x0] =	vst v14  }
0xea: {  	v14 =	vor.u32 $0x100, v6;
	s11 =	sadd.s32 $0x15300, s30;
	v21 =	vld.idx.msk [tilespmem:v22+s14+$0x0], $0xffff;
	[tilespmem:s13+$0x0] =	vst v11  }
0xeb: {  	s13 =	sadd.s32 $0x15080, s2;
	v11 =	vor.u32 $0x100, v4;
	s16 =	sor.u32 s31, s11;
	s18 =	sor.u32 s29, s11;
	v16 =	vld.idx.msk [tilespmem:v16+s14+$0x0], $0xffff;
	[tilespmem:s17+$0x0] =	vst v9  }
0xec: {  	s17 =	sor.u32 s4, s13;
	s19 =	sor.u32 s6, s13;
	s20 =	sor.u32 s7, s13;
	v9 =	vor.u32 $0x100, v5;
	[tilespmem:s16+$0x0] =	vst v15;
	v12 =	vld.idx.msk [tilespmem:v12+s14+$0x0], $0xffff  }
0xed: {  	s16 =	sor.u32 s10, s13;
	s13 =	sor.u32 s26, s11;
	v15 =	vor.u32 $0x300, v1;
	s11 =	sor.u32 s28, s11;
	[tilespmem:s17+$0x0] =	vst v17;
	v13 =	vld.idx.msk [tilespmem:v13+s14+$0x0], $0xffff  }
0xee: {  	v17 =	vor.u32 $0x380, v2;
	v2 =	vmov v6;
	v7 =	vld.idx.msk [tilespmem:v7+s14+$0x0], $0xffff;
	[tilespmem:s19+$0x0] =	vst v18  }
0xef: {  	v6 =	vld.idx.msk [tilespmem:v14+s14+$0x0], $0xffff;
	[tilespmem:s20+$0x0] =	vst v19  }
0xf0: {  	v14 =	vor.u32 $0x180, v3;
	v11 =	vld.idx.msk [tilespmem:v11+s14+$0x0], $0xffff;
	[tilespmem:s16+$0x0] =	vst v21  }
0xf1: {  	v18 =	vor.u32 $0x180, v2;
	s16 =	sadd.s32 $0x15380, s30;
	s30 =	smov.u32 s2;
	v9 =	vld.idx.msk [tilespmem:v9+s14+$0x0], $0xffff;
	[tilespmem:s1+$0x0] =	vst v8  }
0xf2: {  	s1 =	sadd.s32 $0x15100, s30;
	v8 =	vor.u32 $0x180, v4;
	s2 =	sor.u32 s31, s16;
	s17 =	sor.u32 s29, s16;
	[tilespmem:s18+$0x0] =	vst v16;
	v15 =	vld.idx.msk [tilespmem:v15+s14+$0x0], $0xffff  }
0xf3: {  	s18 =	sor.u32 s4, s1;
	s19 =	sor.u32 s6, s1;
	s20 =	sor.u32 s7, s1;
	[tilespmem:s2+$0x0] =	vst v13;
	v13 =	vld.idx.msk [tilespmem:v17+s14+$0x0], $0xffff  }
0xf4: {  	s2 =	sor.u32 s26, s16;
	v16 =	vld [tilespmem:s12+$0x0];
	[tilespmem:s18+$0x0] =	vst v7;
	s18 =	sor.u32 s10, s1;
	v7 =	vor.u32 $0x180, v5;
	s1 =	sor.u32 s28, s16  }
0xf5: {  	s31 =	smov.u32 s4;
	s29 =	smov.u32 s6;
	v17 =	vor.u32 $0x380, v0;
	v0 =	vmov v4;
	s26 =	smov.u32 s7;
	v14 =	vld.idx.msk [tilespmem:v14+s14+$0x0], $0xffff;
	[tilespmem:s19+$0x0] =	vst v6  }
0xf6: {  	s0 =	sadd.s32 $0x40, s0;
	v4 =	vor.u32 $0x380, v1;
	v1 =	vmov v5;
	s28 =	smov.u32 s10;
	v18 =	vld.idx.msk [tilespmem:v18+s14+$0x0], $0xffff;
	[tilespmem:s20+$0x0] =	vst v11  }
0xf7: {  	s3 =	sadd.s32 $0x4, s3;
	s4 =	sand.u32 $0x7C0, s0;
	v5 =	vor.u32 $0x200, v3;
	v8 =	vld.idx.msk [tilespmem:v8+s14+$0x0], $0xffff;
	[tilespmem:s18+$0x0] =	vst v9  }
0xf8: {  	p0 =	slt.u32 s3, $0x7C;
	v6 =	vshll.u32 v20, $0x3;
	v11 =	vor.u32 $0x200, v2;
	v9 =	vld [tilespmem:s4+$0x800];
	[tilespmem:s13+$0x0] =	vst v12  }
0xf9: {  	v19 =	vor.u32 $0x200, v0;
	v6 =	vand.u32 $0xFFFFFC00, v6;
	v12 =	vand.u32 $0x7F, v20;
	s4 =	sadd.s32 $0x15180, s30;
	v20 =	vld.idx.msk [tilespmem:v7+s14+$0x0], $0xffff;
	[tilespmem:s11+$0x0] =	vst v15  }
0xfa: {  	v6 =	vor.u32 v12, v6;
	v7 =	vand.u32 $0x7F, v10;
	v10 =	vshll.u32 v10, $0x3;
	s6 =	sor.u32 s31, s4;
	s7 =	sor.u32 s29, s4;
	s10 =	sor.u32 s26, s4;
	[tilespmem:s17+$0x0] =	vst v13;
	v13 =	vld.idx.msk [tilespmem:v17+s14+$0x0], $0xffff  }
0xfb: {  	v12 =	vshll.u32 v16, $0x3;
	s4 =	sor.u32 s28, s4;
	v10 =	vand.u32 $0xFFFFFC00, v10;
	[tilespmem:s6+$0x0] =	vst v14;
	v14 =	vor.u32 $0x200, v1;
	v15 =	vld.idx.msk [tilespmem:v4+s14+$0x0], $0xffff  }
0xfc: {  	v4 =	vor.u32 v7, v10;
	v7 =	vand.u32 $0x7F, v16;
	v10 =	vand.u32 $0xFFFFFC00, v12;
	v16 =	vld.idx.msk [tilespmem:v5+s14+$0x0], $0xffff;
	[tilespmem:s7+$0x0] =	vst v18  }
0xfd: {  	v5 =	vor.u32 v7, v10;
	v12 =	vshll.u32 v9, $0x3;
	v10 =	vld.idx.msk [tilespmem:v11+s14+$0x0], $0xffff;
	[tilespmem:s10+$0x0] =	vst v8  }
0xfe: {  	v7 =	vand.u32 $0x7F, v9;
	v9 =	vor.u32 $0x280, v3;
	v8 =	vand.u32 $0xFFFFFC00, v12;
	v11 =	vld.idx.msk [tilespmem:v19+s14+$0x0], $0xffff  }
0xff: {  	v7 =	vor.u32 v7, v8;
	v12 =	vld.idx.msk [tilespmem:v6+s14+$0x0], $0xffff;
	[tilespmem:s4+$0x0] =	vst v20  }
0x100: {  	s4 =	sadd.s32 $0x15200, s30;
	v8 =	vor.u32 $0x280, v2;
	v18 =	vld.idx.msk [tilespmem:v14+s14+$0x0], $0xffff;
	[tilespmem:s2+$0x0] =	vst v13  }
0x101: {  	v20 =	vor.u32 $0x280, v0;
	s2 =	sor.u32 s31, s4;
	s6 =	sor.u32 s29, s4;
	s7 =	sor.u32 s26, s4;
	v13 =	vld.idx.msk [tilespmem:v4+s14+$0x0], $0xffff;
	[tilespmem:s1+$0x0] =	vst v15  }
0x102: {  	v21 =	vor.u32 $0x280, v1;
	s1 =	sor.u32 s28, s4;
	v14 =	vld.idx.msk [tilespmem:v5+s14+$0x0], $0xffff;
	[tilespmem:s2+$0x0] =	vst v16  }
.Ltmp3:
0x103: {  	v15 =	vld.idx.msk [tilespmem:v9+s14+$0x0], $0xffff;
	[tilespmem:s6+$0x0] =	vst v10;
	(pc) =	sbr.rel @p0 .LBB2_5-.Ltmp3, $4  }
0x104: {  	v17 =	vld.idx.msk [tilespmem:v7+s14+$0x0], $0xffff;
	[tilespmem:s7+$0x0] =	vst v11  }
0x105: {  	v16 =	vor.u32 $0x300, v3;
	v11 =	vld.idx.msk [tilespmem:v8+s14+$0x0], $0xffff  }
0x106: {  	s8 =	sadd.s32 $0x200, s8;
	v19 =	vor.u32 $0x80, v7;
	v9 =	vld.idx.msk [tilespmem:v20+s14+$0x0], $0xffff;
	[tilespmem:s1+$0x0] =	vst v18  }
0x107: {  	s12 =	sadd.s32 $0x40, s12;
	s2 =	sand.u32 $0x3C00, s8;
	v18 =	vor.u32 $0x80, v6;
	s1 =	sadd.s32 $0x15280, s30;
	v8 =	vld.idx.msk [tilespmem:v21+s14+$0x0], $0xffff  }
0x108: {  	_ = 	snop  }
0x109: {  	s0 =	sand.u32 $0x40, s0;
	s4 =	sadd.s32 $0x15000, s2;
	v10 =	vor.u32 $0x80, v4  }
0x10a: {  	v20 =	vor.u32 $0x80, v5;
	s6 =	sor.u32 s0, s4;
	s3 =	sor.u32 $0x10, s0  }
0x10b: {  	s7 =	sor.u32 $0x20, s0;
	[tilespmem:s6+$0x0] =	vst v17;
	s22 =	sor.u32 s3, s4  }
0x10c: {  	s8 =	sor.u32 $0x30, s0;
	s10 =	sor.u32 s7, s4;
	v17 =	vld.idx.msk [tilespmem:v19+s14+$0x0], $0xffff;
	[tilespmem:s22+$0x0] =	vst v12  }
0x10d: {  	s4 =	sor.u32 s8, s4;
	[tilespmem:s10+$0x0] =	vst v13;
	v13 =	vor.u32 $0x100, v7;
	v12 =	vld.idx.msk [tilespmem:v18+s14+$0x0], $0xffff  }
0x10e: {  	[tilespmem:s4+$0x0] =	vst v14;
	v14 =	vor.u32 $0x100, v6;
	v10 =	vld.idx.msk [tilespmem:v10+s14+$0x0], $0xffff  }
0x10f: {  	s11 =	sadd.s32 $0x15080, s2;
	v19 =	vor.u32 $0x100, v4;
	v18 =	vld.idx.msk [tilespmem:v20+s14+$0x0], $0xffff  }
0x110: {  	s12 =	sor.u32 s0, s11;
	v20 =	vor.u32 $0x100, v5  }
0x111: {  	s13 =	sor.u32 s3, s11;
	[tilespmem:s12+$0x0] =	vst v17  }
0x112: {  	s16 =	sor.u32 s7, s11;
	v13 =	vld.idx.msk [tilespmem:v13+s14+$0x0], $0xffff;
	[tilespmem:s13+$0x0] =	vst v12  }
0x113: {  	s4 =	sor.u32 s8, s11;
	v12 =	vld.idx.msk [tilespmem:v14+s14+$0x0], $0xffff;
	[tilespmem:s16+$0x0] =	vst v10;
	v10 =	vor.u32 $0x180, v7  }
0x114: {  	s17 =	sor.u32 s31, s1;
	v17 =	vor.u32 $0x180, v6;
	[tilespmem:s4+$0x0] =	vst v18;
	v14 =	vld.idx.msk [tilespmem:v19+s14+$0x0], $0xffff  }
0x115: {  	s18 =	sor.u32 s29, s1;
	s19 =	sadd.s32 $0x15100, s2;
	[tilespmem:s17+$0x0] =	vst v15;
	v18 =	vor.u32 $0x180, v4;
	v15 =	vld.idx.msk [tilespmem:v20+s14+$0x0], $0xffff  }
0x116: {  	s20 =	sor.u32 s0, s19;
	[tilespmem:s18+$0x0] =	vst v11;
	v11 =	vor.u32 $0x180, v5  }
0x117: {  	v16 =	vld.idx.msk [tilespmem:v16+s14+$0x0], $0xffff;
	s22 =	sor.u32 s3, s19;
	[tilespmem:s20+$0x0] =	vst v13  }
0x118: {  	s11 =	sor.u32 s7, s19;
	v13 =	vor.u32 $0x300, v2;
	v10 =	vld.idx.msk [tilespmem:v10+s14+$0x0], $0xffff;
	[tilespmem:s22+$0x0] =	vst v12  }
0x119: {  	s6 =	sor.u32 s8, s19;
	v12 =	vld.idx.msk [tilespmem:v17+s14+$0x0], $0xffff;
	[tilespmem:s11+$0x0] =	vst v14;
	v14 =	vor.u32 $0x200, v7  }
0x11a: {  	s12 =	sor.u32 s26, s1;
	s4 =	sadd.s32 $0x15300, s30;
	[tilespmem:s6+$0x0] =	vst v15;
	v15 =	vor.u32 $0x200, v6;
	v17 =	vld.idx.msk [tilespmem:v18+s14+$0x0], $0xffff  }
0x11b: {  	[tilespmem:s12+$0x0] =	vst v9;
	v9 =	vor.u32 $0x200, v4;
	s16 =	sadd.s32 $0x15180, s2;
	s13 =	sor.u32 s31, s4;
	v11 =	vld.idx.msk [tilespmem:v11+s14+$0x0], $0xffff  }
0x11c: {  	s17 =	sor.u32 s0, s16;
	[tilespmem:s13+$0x0] =	vst v16;
	v16 =	vor.u32 $0x200, v5  }
0x11d: {  	v3 =	vor.u32 $0x380, v3;
	s18 =	sor.u32 s3, s16;
	v13 =	vld.idx.msk [tilespmem:v13+s14+$0x0], $0xffff;
	[tilespmem:s17+$0x0] =	vst v10  }
0x11e: {  	s19 =	sor.u32 s7, s16;
	v10 =	vor.u32 $0x300, v0;
	[tilespmem:s18+$0x0] =	vst v12;
	v12 =	vld.idx.msk [tilespmem:v14+s14+$0x0], $0xffff  }
0x11f: {  	s20 =	sor.u32 s8, s16;
	[tilespmem:s19+$0x0] =	vst v17;
	v14 =	vld.idx.msk [tilespmem:v15+s14+$0x0], $0xffff;
	v15 =	vor.u32 $0x280, v7  }
0x120: {  	s22 =	sor.u32 s28, s1;
	[tilespmem:s20+$0x0] =	vst v11;
	v11 =	vor.u32 $0x280, v6;
	v9 =	vld.idx.msk [tilespmem:v9+s14+$0x0], $0xffff  }
0x121: {  	s10 =	sor.u32 s29, s4;
	[tilespmem:s22+$0x0] =	vst v8;
	s11 =	sadd.s32 $0x15200, s2;
	v8 =	vld.idx.msk [tilespmem:v16+s14+$0x0], $0xffff;
	v16 =	vor.u32 $0x280, v4  }
0x122: {  	v3 =	vld.idx.msk [tilespmem:v3+s14+$0x0], $0xffff;
	s12 =	sor.u32 s0, s11;
	[tilespmem:s10+$0x0] =	vst v13;
	v13 =	vor.u32 $0x280, v5  }
0x123: {  	v2 =	vor.u32 $0x380, v2;
	s13 =	sor.u32 s3, s11;
	v10 =	vld.idx.msk [tilespmem:v10+s14+$0x0], $0xffff;
	[tilespmem:s12+$0x0] =	vst v12  }
0x124: {  	s16 =	sor.u32 s7, s11;
	v17 =	vor.u32 $0x300, v1;
	[tilespmem:s13+$0x0] =	vst v14;
	v12 =	vld.idx.msk [tilespmem:v15+s14+$0x0], $0xffff  }
0x125: {  	s1 =	sor.u32 s8, s11;
	s10 =	sadd.s32 $0x15380, s30;
	[tilespmem:s16+$0x0] =	vst v9;
	v9 =	vor.u32 $0x300, v7;
	v11 =	vld.idx.msk [tilespmem:v11+s14+$0x0], $0xffff  }
0x126: {  	s17 =	sor.u32 s31, s10;
	[tilespmem:s1+$0x0] =	vst v8;
	v8 =	vor.u32 $0x300, v6;
	v14 =	vld.idx.msk [tilespmem:v16+s14+$0x0], $0xffff  }
0x127: {  	s18 =	sor.u32 s26, s4;
	s19 =	sadd.s32 $0x15280, s2;
	[tilespmem:s17+$0x0] =	vst v3;
	v3 =	vld.idx.msk [tilespmem:v13+s14+$0x0], $0xffff;
	v13 =	vor.u32 $0x300, v4  }
0x128: {  	s20 =	sor.u32 s0, s19;
	v2 =	vld.idx.msk [tilespmem:v2+s14+$0x0], $0xffff;
	[tilespmem:s18+$0x0] =	vst v10;
	v10 =	vor.u32 $0x300, v5  }
0x129: {  	v0 =	vor.u32 $0x380, v0;
	s22 =	sor.u32 s3, s19;
	v15 =	vld.idx.msk [tilespmem:v17+s14+$0x0], $0xffff;
	[tilespmem:s20+$0x0] =	vst v12  }
0x12a: {  	v1 =	vor.u32 $0x380, v1;
	s11 =	sor.u32 s7, s19;
	v9 =	vld.idx.msk [tilespmem:v9+s14+$0x0], $0xffff;
	[tilespmem:s22+$0x0] =	vst v11  }
0x12b: {  	s12 =	sor.u32 s8, s19;
	v7 =	vor.u32 $0x380, v7;
	v8 =	vld.idx.msk [tilespmem:v8+s14+$0x0], $0xffff;
	[tilespmem:s11+$0x0] =	vst v14  }
0x12c: {  	s13 =	sor.u32 s29, s10;
	v6 =	vor.u32 $0x380, v6;
	[tilespmem:s12+$0x0] =	vst v3;
	v11 =	vld.idx.msk [tilespmem:v13+s14+$0x0], $0xffff  }
0x12d: {  	s4 =	sor.u32 s28, s4;
	s16 =	sadd.s32 $0x15300, s2;
	v4 =	vor.u32 $0x380, v4;
	[tilespmem:s13+$0x0] =	vst v2;
	v3 =	vld.idx.msk [tilespmem:v10+s14+$0x0], $0xffff  }
0x12e: {  	s17 =	sor.u32 s0, s16;
	v2 =	vor.u32 $0x380, v5;
	v0 =	vld.idx.msk [tilespmem:v0+s14+$0x0], $0xffff;
	[tilespmem:s4+$0x0] =	vst v15  }
0x12f: {  	s18 =	sor.u32 s3, s16;
	v1 =	vld.idx.msk [tilespmem:v1+s14+$0x0], $0xffff;
	[tilespmem:s17+$0x0] =	vst v9  }
0x130: {  	s19 =	sor.u32 s7, s16;
	v5 =	vld.idx.msk [tilespmem:v7+s14+$0x0], $0xffff;
	[tilespmem:s18+$0x0] =	vst v8  }
0x131: {  	s4 =	sor.u32 s8, s16;
	v6 =	vld.idx.msk [tilespmem:v6+s14+$0x0], $0xffff;
	[tilespmem:s19+$0x0] =	vst v11  }
0x132: {  	s20 =	sor.u32 s26, s10;
	[tilespmem:s4+$0x0] =	vst v3;
	v3 =	vld.idx.msk [tilespmem:v4+s14+$0x0], $0xffff  }
0x133: {  	s26 =	sadd.s32 $0x15380, s2;
	s22 =	sor.u32 s28, s10;
	[tilespmem:s20+$0x0] =	vst v0;
	v0 =	vld.idx.msk [tilespmem:v2+s14+$0x0], $0xffff  }
0x134: {  	s0 =	sor.u32 s0, s26;
	[tilespmem:s22+$0x0] =	vst v1  }
0x135: {  	s2 =	sor.u32 s3, s26;
	[tilespmem:s0+$0x0] =	vst v5  }
0x136: {  	s3 =	sor.u32 s7, s26;
	[tilespmem:s2+$0x0] =	vst v6  }
0x137: {  	s1 =	sor.u32 s8, s26;
	[tilespmem:s3+$0x0] =	vst v3  }
0x138: {  	s6 =	simm.s32 $0x15000;
	s4 =	sadd.s32 s25, s9;
	[tilespmem:s1+$0x0] =	vst v0  }
0x139: {  	[hbm4b:s4+s5] =	stream.linear.scatter [tilespmem:s6], [sflag:$0x4], $0x4000, $0x38;
	[tilespmem:$0x19000] =	vst v63  }
0x13a: {  	p0 =	seq.s32 s23, $0x1F;
	s0 =	rddreg [dreg:$0x7]  }
0x13b: {  	s0 =	sadd.s32 @!p0 s24, s0  }
0x13c: {  	s0 =	sshll.u32 @!p0 s0, $0xC  }
0x13d: {  	s7 =	simm.s32 $0x2;
	s1 =	rddreg [dreg:$0x0];
	s0 =	sand.u32 @!p0 $0x1FFFE000, s0  }
0x13e: {  	s2 =	simm.s32 @!p0 $0x1000;
	s0 =	sadd.s32 @!p0 s1, s0;
	s1 =	simm.s32 @!p0 $0x0  }
0x13f: {  	[tilespmem:s2], [sflag:$0x1] =	stream.linear.gather @!p0 [hbm4b:s0+s1], $0x8000, $0x38;
	[tilespmem:$0x19000] =	vst v63  }
0x140: {  	_ =	swait.ge [sflag:s7], $0x8000  }
0x141: {  	[sflag:s7] =	ssyncset.done $0x0  }
0x142: {  	s8 =	simm.s32 $0x0;
	s10 =	simm.s32 $0x3;
	[sflag:s7] =	ssyncadd.s32 $0xFFFF8000  }
0x143: {  	s11 =	sand.u32 $0x40, s8;
	_ =	swait.ge [sflag:s10], $0x4000  }
0x144: {  	s12 =	sand.u32 $0x780, s8;
	s13 =	sor.u32 $0x30, s11;
	[sflag:s10] =	ssyncset.done $0x0  }
0x145: {  	s16 =	sor.u32 s13, s12;
	[sflag:s10] =	ssyncadd.s32 $0xFFFFC000  }
0x146: {  	v0 =	vld [tilespmem:s16+$0x0]  }
0x147: {  	s17 =	sor.u32 $0x10, s11;
	v1 =	vld [tilespmem:s8+$0x0]  }
0x148: {  	s18 =	sor.u32 $0x20, s11;
	s19 =	sor.u32 s17, s12  }
0x149: {  	s2 =	sor.u32 s18, s12;
	v2 =	vld [tilespmem:s19+$0x0]  }
0x14a: {  	v3 =	vld [tilespmem:s2+$0x0]  }
0x14b: {  	v4 =	vshll.u32 v0, $0x3  }
0x14c: {  	v5 =	vshll.u32 v1, $0x3;
	v0 =	vand.u32 $0x7F, v0;
	v4 =	vand.u32 $0xFFFFFC00, v4  }
0x14d: {  	v1 =	vand.u32 $0x7F, v1;
	v6 =	vand.u32 $0xFFFFFC00, v5;
	v5 =	vor.u32 v0, v4  }
0x14e: {  	v0 =	vor.u32 v1, v6;
	v1 =	vshll.u32 v2, $0x3  }
0x14f: {  	v4 =	vshll.u32 v3, $0x3;
	v2 =	vand.u32 $0x7F, v2;
	v1 =	vand.u32 $0xFFFFFC00, v1  }
0x150: {  	v6 =	vand.u32 $0xFFFFFC00, v4;
	v4 =	vor.u32 v2, v1;
	v1 =	vand.u32 $0x7F, v3  }
0x151: {  	v3 =	vor.u32 v1, v6  }
0x152: {  	v1 =	vld.idx.msk [tilespmem:v5+s15+$0x0], $0xffff  }
0x153: {  	v6 =	vor.u32 $0x80, v5;
	v2 =	vld.idx.msk [tilespmem:v0+s15+$0x0], $0xffff  }
0x154: {  	s0 =	sand.u32 $0x3C00, s8;
	v7 =	vor.u32 $0x80, v0  }
0x155: {  	s0 =	sadd.s32 $0x11000, s0;
	v8 =	vld.idx.msk [tilespmem:v4+s15+$0x0], $0xffff  }
0x156: {  	s3 =	sor.u32 s13, s0;
	v9 =	vor.u32 $0x80, v4;
	v10 =	vld.idx.msk [tilespmem:v3+s15+$0x0], $0xffff  }
0x157: {  	s1 =	sor.u32 s11, s0;
	v11 =	vor.u32 $0x80, v3;
	[tilespmem:s3+$0x0] =	vst v1  }
0x158: {  	[tilespmem:s1+$0x0] =	vst v2;
	v1 =	vld.idx.msk [tilespmem:v6+s15+$0x0], $0xffff  }
0x159: {  	s20 =	sor.u32 s17, s0;
	v2 =	vld.idx.msk [tilespmem:v7+s15+$0x0], $0xffff;
	v6 =	vor.u32 $0x100, v5  }
0x15a: {  	s22 =	sor.u32 s18, s0;
	v7 =	vor.u32 $0x100, v0;
	[tilespmem:s20+$0x0] =	vst v8  }
0x15b: {  	v8 =	vld.idx.msk [tilespmem:v9+s15+$0x0], $0xffff;
	[tilespmem:s22+$0x0] =	vst v10  }
0x15c: {  	v9 =	vor.u32 $0x100, v4;
	v10 =	vld.idx.msk [tilespmem:v11+s15+$0x0], $0xffff  }
0x15d: {  	v11 =	vor.u32 $0x100, v3;
	[tilespmem:s3+$0x80] =	vst v1  }
0x15e: {  	[tilespmem:s1+$0x80] =	vst v2;
	v1 =	vld.idx.msk [tilespmem:v6+s15+$0x0], $0xffff  }
0x15f: {  	v2 =	vld.idx.msk [tilespmem:v7+s15+$0x0], $0xffff;
	v6 =	vor.u32 $0x180, v5  }
0x160: {  	v7 =	vor.u32 $0x180, v0;
	[tilespmem:s20+$0x80] =	vst v8  }
0x161: {  	v8 =	vld.idx.msk [tilespmem:v9+s15+$0x0], $0xffff;
	[tilespmem:s22+$0x80] =	vst v10  }
0x162: {  	s26 =	simm.s32 $0x40;
	v9 =	vor.u32 $0x180, v4;
	v10 =	vld.idx.msk [tilespmem:v11+s15+$0x0], $0xffff  }
0x163: {  	s0 =	sand.u32 $0x40, s26;
	v11 =	vld [tilespmem:s26+$0x0];
	[tilespmem:s3+$0x100] =	vst v1  }
0x164: {  	s12 =	sand.u32 $0x780, s26;
	s7 =	sor.u32 $0x30, s0;
	[tilespmem:s1+$0x100] =	vst v2;
	v1 =	vld.idx.msk [tilespmem:v6+s15+$0x0], $0xffff  }
0x165: {  	s13 =	sor.u32 s7, s12;
	v2 =	vor.u32 $0x180, v3;
	v6 =	vld.idx.msk [tilespmem:v7+s15+$0x0], $0xffff  }
0x166: {  	s2 =	sor.u32 $0x10, s0;
	v7 =	vor.u32 $0x200, v5;
	[tilespmem:s20+$0x100] =	vst v8;
	v8 =	vld [tilespmem:s13+$0x0]  }
0x167: {  	s16 =	sor.u32 $0x20, s0;
	s17 =	sor.u32 s2, s12;
	v9 =	vld.idx.msk [tilespmem:v9+s15+$0x0], $0xffff  }
0x168: {  	s10 =	sor.u32 s16, s12;
	v13 =	vld [tilespmem:s17+$0x0];
	v12 =	vor.u32 $0x200, v4;
	v14 =	vshll.u32 v11, $0x3  }
0x169: {  	v15 =	vld [tilespmem:s10+$0x0];
	[tilespmem:s22+$0x100] =	vst v10;
	v10 =	vor.u32 $0x200, v0;
	v11 =	vand.u32 $0x7F, v11;
	v14 =	vand.u32 $0xFFFFFC00, v14  }
0x16a: {  	p1 =	por $0x0, $0x0;
	v16 =	vld.idx.msk [tilespmem:v2+s15+$0x0], $0xffff;
	[tilespmem:s3+$0x180] =	vst v1;
	v1 =	vor.u32 v11, v14;
	s3 =	simm.s32 $0x1  }
0x16b: {  	v11 =	vor.u32 $0x200, v3;
	v7 =	vld.idx.msk [tilespmem:v7+s15+$0x0], $0xffff;
	v2 =	vshll.u32 v8, $0x3;
	s3 =	simm.s32 @!p1 $0x0  }
0x16c: {  	v8 =	vand.u32 $0x7F, v8;
	[tilespmem:s20+$0x180] =	vst v9;
	v2 =	vand.u32 $0xFFFFFC00, v2;
	s3 =	sshll.u32 s3, $0x6;
	v9 =	vor.u32 $0x280, v5  }
0x16d: {  	v14 =	vor.u32 $0x280, v4;
	[tilespmem:s1+$0x180] =	vst v6;
	v6 =	vld.idx.msk [tilespmem:v12+s15+$0x0], $0xffff;
	v12 =	vshll.u32 v13, $0x3;
	v2 =	vor.u32 v8, v2;
	s1 =	sadd.s32 $0x0, s3  }
0x16e: {  	v8 =	vld.idx.msk [tilespmem:v10+s15+$0x0], $0xffff;
	v10 =	vshll.u32 v15, $0x3;
	v13 =	vand.u32 $0x7F, v13;
	v12 =	vand.u32 $0xFFFFFC00, v12;
	s3 =	sadd.s32 $0x30, s1  }
0x16f: {  	v10 =	vand.u32 $0xFFFFFC00, v10;
	[tilespmem:s22+$0x180] =	vst v16;
	v17 =	vld.idx.msk [tilespmem:v1+s15+$0x0], $0xffff;
	v21 =	vor.u32 v13, v12;
	v12 =	vand.u32 $0x7F, v15;
	s18 =	sor.u32 $0x200, s3  }
0x170: {  	s4 =	sadd.s32 $0x10, s1;
	v11 =	vld.idx.msk [tilespmem:v11+s15+$0x0], $0xffff;
	v10 =	vor.u32 v12, v10;
	[tilespmem:s18+$0x11000] =	vst v7  }
0x171: {  	s19 =	sor.u32 $0x200, s4;
	v7 =	vor.u32 $0x280, v0;
	v9 =	vld.idx.msk [tilespmem:v9+s15+$0x0], $0xffff  }
0x172: {  	s28 =	simm.s32 $0x200;
	s20 =	sor.u32 $0x200, s1;
	v12 =	vor.u32 $0x280, v3;
	v13 =	vld.idx.msk [tilespmem:v2+s15+$0x0], $0xffff;
	[tilespmem:s19+$0x11000] =	vst v6  }
0x173: {  	s12 =	sand.u32 $0x3C00, s28;
	s10 =	sadd.s32 $0x20, s1;
	[tilespmem:s20+$0x11000] =	vst v8;
	v8 =	vor.u32 $0x80, v1;
	v6 =	vld.idx.msk [tilespmem:v14+s15+$0x0], $0xffff  }
0x174: {  	s8 =	sadd.s32 $0x11000, s12;
	s22 =	sor.u32 $0x200, s10;
	v14 =	vor.u32 $0x300, v5;
	v15 =	vld.idx.msk [tilespmem:v21+s15+$0x0], $0xffff  }
0x175: {  	v16 =	vor.u32 $0x80, v2;
	[tilespmem:s22+$0x11000] =	vst v11;
	s22 =	sor.u32 s7, s8;
	s7 =	sor.u32 s0, s8;
	v18 =	vld.idx.msk [tilespmem:v10+s15+$0x0], $0xffff  }
0x176: {  	s13 =	sor.u32 $0x280, s3;
	v19 =	vor.u32 $0x80, v21;
	v7 =	vld.idx.msk [tilespmem:v7+s15+$0x0], $0xffff;
	[tilespmem:s7+$0x0] =	vst v17  }
0x177: {  	v11 =	vor.u32 $0x80, v10;
	v12 =	vld.idx.msk [tilespmem:v12+s15+$0x0], $0xffff;
	[tilespmem:s13+$0x11000] =	vst v9  }
0x178: {  	s31 =	sor.u32 s2, s8;
	s2 =	sor.u32 s16, s8;
	s16 =	sor.u32 $0x280, s4;
	v9 =	vor.u32 $0x300, v4;
	[tilespmem:s22+$0x0] =	vst v13;
	v8 =	vld.idx.msk [tilespmem:v8+s15+$0x0], $0xffff  }
0x179: {  	v13 =	vld.idx.msk [tilespmem:v14+s15+$0x0], $0xffff;
	v14 =	vor.u32 $0x300, v3;
	[tilespmem:s16+$0x11000] =	vst v6  }
0x17a: {  	v5 =	vor.u32 $0x380, v5;
	v16 =	vld.idx.msk [tilespmem:v16+s15+$0x0], $0xffff;
	[tilespmem:s31+$0x0] =	vst v15  }
0x17b: {  	s17 =	sor.u32 $0x280, s10;
	v17 =	vor.u32 $0x100, v2;
	v15 =	vld.idx.msk [tilespmem:v19+s15+$0x0], $0xffff;
	[tilespmem:s2+$0x0] =	vst v18  }
0x17c: {  	v18 =	vor.u32 $0x100, v1;
	[tilespmem:s17+$0x11000] =	vst v12;
	v20 =	vld.idx.msk [tilespmem:v11+s15+$0x0], $0xffff  }
0x17d: {  	s18 =	sor.u32 $0x300, s3;
	v6 =	vor.u32 $0x100, v21;
	v22 =	vld.idx.msk [tilespmem:v9+s15+$0x0], $0xffff;
	[tilespmem:s7+$0x80] =	vst v8  }
0x17e: {  	v23 =	vor.u32 $0x100, v10;
	v14 =	vld.idx.msk [tilespmem:v14+s15+$0x0], $0xffff;
	[tilespmem:s18+$0x11000] =	vst v13  }
0x17f: {  	[tilespmem:s22+$0x80] =	vst v16;
	v16 =	vor.u32 $0x300, v0;
	v24 =	vld.idx.msk [tilespmem:v5+s15+$0x0], $0xffff  }
0x180: {  	v25 =	vor.u32 $0x380, v4;
	v19 =	vld.idx.msk [tilespmem:v17+s15+$0x0], $0xffff;
	[tilespmem:s31+$0x80] =	vst v15  }
0x181: {  	s20 =	sor.u32 $0x300, s4;
	v4 =	vor.u32 $0x380, v21;
	v17 =	vld.idx.msk [tilespmem:v18+s15+$0x0], $0xffff;
	[tilespmem:s2+$0x80] =	vst v20  }
0x182: {  	s19 =	sor.u32 $0x280, s1;
	v11 =	vor.u32 $0x200, v21;
	v8 =	vor.u32 $0x280, v21;
	v18 =	vld.idx.msk [tilespmem:v6+s15+$0x0], $0xffff;
	[tilespmem:s20+$0x11000] =	vst v22;
	v22 =	vor.u32 $0x180, v2  }
0x183: {  	s12 =	sor.u32 $0x300, s1;
	s29 =	sor.u32 $0x380, s1;
	[tilespmem:s19+$0x11000] =	vst v7;
	v13 =	vor.u32 $0x180, v21;
	v6 =	vor.u32 $0x300, v21;
	v21 =	vor.u32 $0x180, v1;
	v20 =	vld.idx.msk [tilespmem:v23+s15+$0x0], $0xffff  }
0x184: {  	s30 =	sor.u32 $0x380, s10;
	s3 =	sor.u32 $0x380, s3;
	s0 =	simm.s32 $0x4;
	v3 =	vor.u32 $0x380, v3;
	v12 =	vor.u32 $0x180, v10;
	v7 =	vor.u32 $0x280, v10;
	v15 =	vld.idx.msk [tilespmem:v16+s15+$0x0], $0xffff  }
0x185: {  	s8 =	sor.u32 $0x380, s4;
	s13 =	sor.u32 $0x300, s10;
	v9 =	vor.u32 $0x200, v10;
	v5 =	vor.u32 $0x300, v10;
	v10 =	vor.u32 $0x380, v10;
	v16 =	vld.idx.msk [tilespmem:v25+s15+$0x0], $0xffff;
	[tilespmem:s3+$0x11000] =	vst v24;
	s3 =	simm.s32 $0x80  }
.LBB2_7:
0x186: {  	v23 =	vld [tilespmem:s3+$0x0];
	[tilespmem:s22+$0x100] =	vst v19;
	s26 =	sadd.s32 $0x40, s26  }
0x187: {  	s0 =	sadd.s32 $0x4, s0;
	s11 =	sand.u32 $0x40, s26;
	[tilespmem:s7+$0x100] =	vst v17;
	v17 =	vld.idx.msk [tilespmem:v22+s15+$0x0], $0xffff  }
0x188: {  	s6 =	sand.u32 $0x780, s26;
	p2 =	slt.u32 s0, $0x7C;
	s1 =	sor.u32 $0x30, s11;
	v19 =	vld.idx.msk [tilespmem:v21+s15+$0x0], $0xffff;
	[tilespmem:s31+$0x100] =	vst v18  }
0x189: {  	s10 =	sor.u32 $0x10, s11;
	s4 =	sor.u32 $0x20, s11;
	v18 =	vor.u32 $0x200, v2;
	s16 =	sor.u32 s1, s6;
	v13 =	vld.idx.msk [tilespmem:v13+s15+$0x0], $0xffff;
	[tilespmem:s2+$0x100] =	vst v20  }
0x18a: {  	v21 =	vor.u32 $0x200, v1;
	s17 =	sor.u32 s10, s6;
	s6 =	sor.u32 s4, s6;
	v20 =	vld [tilespmem:s16+$0x0];
	[tilespmem:s13+$0x11000] =	vst v14  }
0x18b: {  	v14 =	vld [tilespmem:s17+$0x0];
	[tilespmem:s12+$0x11000] =	vst v15  }
0x18c: {  	v15 =	vshll.u32 v23, $0x3;
	v22 =	vld [tilespmem:s6+$0x0];
	[tilespmem:s8+$0x11000] =	vst v16  }
0x18d: {  	v16 =	vand.u32 $0x7F, v23;
	v15 =	vand.u32 $0xFFFFFC00, v15;
	v12 =	vld.idx.msk [tilespmem:v12+s15+$0x0], $0xffff;
	[tilespmem:s22+$0x180] =	vst v17;
	v17 =	vor.u32 $0x380, v0;
	v0 =	vmovc v1  }
0x18e: {  	p1 =	por !p1, !p1;
	s6 =	simm.s32 $0x1;
	v1 =	vor.u32 v16, v15;
	[tilespmem:s7+$0x180] =	vst v19;
	v15 =	vld.idx.msk [tilespmem:v18+s15+$0x0], $0xffff  }
0x18f: {  	s6 =	simm.s32 @!p1 $0x0;
	v16 =	vshll.u32 v20, $0x3;
	v18 =	vld.idx.msk [tilespmem:v21+s15+$0x0], $0xffff;
	[tilespmem:s31+$0x180] =	vst v13  }
0x190: {  	s6 =	sshll.u32 s6, $0x6;
	v13 =	vand.u32 $0x7F, v20;
	v16 =	vand.u32 $0xFFFFFC00, v16;
	v19 =	vld.idx.msk [tilespmem:v11+s15+$0x0], $0xffff;
	v11 =	vor.u32 $0x280, v2  }
0x191: {  	s7 =	sadd.s32 s6, s28;
	v20 =	vshll.u32 v14, $0x3;
	v21 =	vshll.u32 v22, $0x3;
	v16 =	vor.u32 v13, v16;
	v23 =	vld.idx.msk [tilespmem:v3+s15+$0x0], $0xffff;
	v3 =	vmovc v10  }
0x192: {  	s8 =	sadd.s32 $0x10, s7;
	s20 =	sadd.s32 $0x20, s7;
	s6 =	sadd.s32 $0x30, s7;
	v10 =	vand.u32 $0x7F, v14;
	v13 =	vand.u32 $0xFFFFFC00, v20;
	v14 =	vand.u32 $0xFFFFFC00, v21;
	v17 =	vld.idx.msk [tilespmem:v17+s15+$0x0], $0xffff  }
0x193: {  	s22 =	sor.u32 $0x200, s8;
	s12 =	sor.u32 $0x200, s6;
	v10 =	vor.u32 v10, v13;
	v13 =	vand.u32 $0x7F, v22;
	v21 =	vor.u32 $0x280, v0;
	v20 =	vld.idx.msk [tilespmem:v1+s15+$0x0], $0xffff;
	[tilespmem:s2+$0x180] =	vst v12;
	s2 =	sor.u32 $0x200, s20  }
0x194: {  	s13 =	sor.u32 $0x200, s7;
	s19 =	sor.u32 $0x280, s8;
	s16 =	sor.u32 $0x280, s20;
	v22 =	vor.u32 $0x80, v10;
	v24 =	vor.u32 $0x100, v10;
	v14 =	vor.u32 v13, v14;
	v25 =	vld.idx.msk [tilespmem:v9+s15+$0x0], $0xffff;
	[tilespmem:s12+$0x11000] =	vst v15  }
0x195: {  	s18 =	sor.u32 $0x280, s7;
	s17 =	sor.u32 $0x300, s8;
	v13 =	vor.u32 $0x180, v10;
	v15 =	vor.u32 $0x80, v14;
	v26 =	vor.u32 $0x100, v14;
	[tilespmem:s13+$0x11000] =	vst v18;
	s13 =	sor.u32 $0x300, s20;
	v18 =	vld.idx.msk [tilespmem:v11+s15+$0x0], $0xffff  }
0x196: {  	s8 =	sor.u32 $0x380, s8;
	v12 =	vor.u32 $0x180, v14;
	v9 =	vor.u32 $0x200, v14;
	s12 =	sor.u32 $0x300, s7;
	v11 =	vor.u32 $0x200, v10;
	s20 =	sor.u32 $0x380, s20;
	v27 =	vld.idx.msk [tilespmem:v16+s15+$0x0], $0xffff;
	[tilespmem:s22+$0x11000] =	vst v19  }
0x197: {  	v29 =	vor.u32 $0x300, v2;
	s7 =	sor.u32 $0x380, s7;
	v19 =	vor.u32 $0x280, v14;
	v28 =	vld.idx.msk [tilespmem:v8+s15+$0x0], $0xffff;
	v8 =	vor.u32 $0x280, v10;
	[tilespmem:s30+$0x11000] =	vst v23;
	s30 =	smov.u32 s20  }
0x198: {  	s28 =	sadd.s32 $0x200, s28;
	v32 =	vor.u32 $0x80, v16;
	v30 =	vor.u32 $0x300, v10;
	v31 =	vor.u32 $0x300, v14;
	v23 =	vld.idx.msk [tilespmem:v10+s15+$0x0], $0xffff;
	[tilespmem:s29+$0x11000] =	vst v17;
	s29 =	smov.u32 s7  }
0x199: {  	v33 =	vor.u32 $0x380, v10;
	s7 =	sand.u32 $0x3C00, s28;
	v17 =	vor.u32 $0x80, v1;
	v10 =	vor.u32 $0x380, v14;
	v34 =	vld.idx.msk [tilespmem:v14+s15+$0x0], $0xffff  }
0x19a: {  	s20 =	sadd.s32 $0x11000, s7;
	v35 =	vld.idx.msk [tilespmem:v21+s15+$0x0], $0xffff;
	[tilespmem:s2+$0x11000] =	vst v25;
	s2 =	sor.u32 $0x280, s6  }
0x19b: {  	s7 =	sor.u32 s11, s20;
	s31 =	sor.u32 s10, s20;
	s22 =	sor.u32 s1, s20;
	v14 =	vld.idx.msk [tilespmem:v7+s15+$0x0], $0xffff;
	[tilespmem:s2+$0x11000] =	vst v18;
	v7 =	vmov v19  }
0x19c: {  	s2 =	sor.u32 s4, s20;
	[tilespmem:s22+$0x0] =	vst v27;
	v18 =	vld.idx.msk [tilespmem:v29+s15+$0x0], $0xffff  }
0x19d: {  	[tilespmem:s7+$0x0] =	vst v20;
	v19 =	vld.idx.msk [tilespmem:v32+s15+$0x0], $0xffff  }
0x19e: {  	v20 =	vor.u32 $0x380, v2;
	v2 =	vmov v16;
	v17 =	vld.idx.msk [tilespmem:v17+s15+$0x0], $0xffff;
	[tilespmem:s31+$0x0] =	vst v23  }
0x19f: {  	v21 =	vor.u32 $0x100, v2;
	v16 =	vld.idx.msk [tilespmem:v22+s15+$0x0], $0xffff;
	[tilespmem:s2+$0x0] =	vst v34  }
0x1a0: {  	v22 =	vor.u32 $0x100, v1;
	v15 =	vld.idx.msk [tilespmem:v15+s15+$0x0], $0xffff;
	[tilespmem:s19+$0x11000] =	vst v28  }
0x1a1: {  	s1 =	sor.u32 $0x300, s6;
	v23 =	vld.idx.msk [tilespmem:v6+s15+$0x0], $0xffff;
	[tilespmem:s16+$0x11000] =	vst v14;
	v6 =	vmov v30  }
0x1a2: {  	v14 =	vld.idx.msk [tilespmem:v5+s15+$0x0], $0xffff;
	[tilespmem:s1+$0x11000] =	vst v18;
	v5 =	vmov v31  }
0x1a3: {  	v25 =	vor.u32 $0x300, v0;
	[tilespmem:s22+$0x80] =	vst v19;
	v27 =	vld.idx.msk [tilespmem:v20+s15+$0x0], $0xffff  }
0x1a4: {  	[tilespmem:s7+$0x80] =	vst v17;
	v19 =	vld.idx.msk [tilespmem:v21+s15+$0x0], $0xffff  }
.Ltmp4:
0x1a5: {  	v17 =	vld.idx.msk [tilespmem:v22+s15+$0x0], $0xffff;
	[tilespmem:s31+$0x80] =	vst v16;
	(pc) =	sbr.rel @p2 .LBB2_7-.Ltmp4, $4  }
0x1a6: {  	v22 =	vor.u32 $0x180, v2;
	v18 =	vld.idx.msk [tilespmem:v24+s15+$0x0], $0xffff;
	[tilespmem:s2+$0x80] =	vst v15  }
0x1a7: {  	v21 =	vor.u32 $0x180, v1;
	v20 =	vld.idx.msk [tilespmem:v26+s15+$0x0], $0xffff;
	[tilespmem:s18+$0x11000] =	vst v35  }
0x1a8: {  	s1 =	sor.u32 $0x380, s6;
	v15 =	vld.idx.msk [tilespmem:v25+s15+$0x0], $0xffff;
	[tilespmem:s17+$0x11000] =	vst v23  }
0x1a9: {  	s3 =	sadd.s32 $0x40, s3;
	v16 =	vld.idx.msk [tilespmem:v4+s15+$0x0], $0xffff;
	[tilespmem:s1+$0x11000] =	vst v27;
	v4 =	vmov v33  }
0x1aa: {  	_ =	sdelay $0x2  }
0x1ab: {  	[tilespmem:s22+$0x100] =	vst v19  }
0x1ac: {  	v19 =	vld.idx.msk [tilespmem:v22+s15+$0x0], $0xffff;
	[tilespmem:s31+$0x100] =	vst v18  }
0x1ad: {  	[tilespmem:s7+$0x100] =	vst v17;
	v18 =	vor.u32 $0x200, v2;
	v13 =	vld.idx.msk [tilespmem:v13+s15+$0x0], $0xffff  }
0x1ae: {  	v17 =	vld.idx.msk [tilespmem:v21+s15+$0x0], $0xffff;
	[tilespmem:s2+$0x100] =	vst v20  }
0x1af: {  	v20 =	vor.u32 $0x200, v1;
	v12 =	vld.idx.msk [tilespmem:v12+s15+$0x0], $0xffff;
	_ =	sdelay $0x1  }
0x1b0: {  	p1 =	por !p1, !p1;
	s0 =	simm.s32 $0x1;
	[tilespmem:s22+$0x180] =	vst v19  }
0x1b1: {  	s0 =	simm.s32 @!p1 $0x0;
	v18 =	vld.idx.msk [tilespmem:v18+s15+$0x0], $0xffff;
	[tilespmem:s31+$0x180] =	vst v13  }
0x1b2: {  	s0 =	sshll.u32 s0, $0x6;
	[tilespmem:s7+$0x180] =	vst v17;
	v13 =	vor.u32 $0x280, v2;
	v11 =	vld.idx.msk [tilespmem:v11+s15+$0x0], $0xffff  }
0x1b3: {  	s0 =	sadd.s32 s0, s28;
	[tilespmem:s2+$0x180] =	vst v12;
	v12 =	vld.idx.msk [tilespmem:v20+s15+$0x0], $0xffff  }
0x1b4: {  	s1 =	sadd.s32 $0x30, s0;
	v17 =	vor.u32 $0x280, v1;
	v9 =	vld.idx.msk [tilespmem:v9+s15+$0x0], $0xffff  }
0x1b5: {  	s3 =	sor.u32 $0x200, s1;
	s7 =	sadd.s32 $0x10, s0  }
0x1b6: {  	s6 =	sor.u32 $0x200, s7;
	[tilespmem:s3+$0x11000] =	vst v18  }
0x1b7: {  	s4 =	sadd.s32 $0x20, s0;
	s11 =	sor.u32 $0x200, s0;
	v13 =	vld.idx.msk [tilespmem:v13+s15+$0x0], $0xffff;
	[tilespmem:s6+$0x11000] =	vst v11  }
0x1b8: {  	s10 =	sor.u32 $0x200, s4;
	v11 =	vor.u32 $0x300, v2;
	[tilespmem:s11+$0x11000] =	vst v12;
	v8 =	vld.idx.msk [tilespmem:v8+s15+$0x0], $0xffff  }
0x1b9: {  	[tilespmem:s10+$0x11000] =	vst v9;
	v9 =	vld.idx.msk [tilespmem:v17+s15+$0x0], $0xffff  }
0x1ba: {  	v12 =	vor.u32 $0x300, v1;
	v7 =	vld.idx.msk [tilespmem:v7+s15+$0x0], $0xffff  }
0x1bb: {  	[tilespmem:s13+$0x11000] =	vst v14;
	s13 =	sor.u32 $0x280, s1  }
0x1bc: {  	s16 =	sor.u32 $0x280, s7;
	[tilespmem:s13+$0x11000] =	vst v13  }
0x1bd: {  	v0 =	vor.u32 $0x380, v0;
	s18 =	sor.u32 $0x280, s0;
	v11 =	vld.idx.msk [tilespmem:v11+s15+$0x0], $0xffff;
	[tilespmem:s16+$0x11000] =	vst v8  }
0x1be: {  	s17 =	sor.u32 $0x280, s4;
	v2 =	vor.u32 $0x380, v2;
	[tilespmem:s18+$0x11000] =	vst v9;
	v6 =	vld.idx.msk [tilespmem:v6+s15+$0x0], $0xffff  }
0x1bf: {  	[tilespmem:s17+$0x11000] =	vst v7;
	v7 =	vld.idx.msk [tilespmem:v12+s15+$0x0], $0xffff  }
0x1c0: {  	[tilespmem:s12+$0x11000] =	vst v15;
	v1 =	vor.u32 $0x380, v1;
	v5 =	vld.idx.msk [tilespmem:v5+s15+$0x0], $0xffff  }
0x1c1: {  	v3 =	vld.idx.msk [tilespmem:v3+s15+$0x0], $0xffff;
	[tilespmem:s8+$0x11000] =	vst v16;
	s19 =	sor.u32 $0x300, s1  }
0x1c2: {  	v0 =	vld.idx.msk [tilespmem:v0+s15+$0x0], $0xffff;
	s20 =	sor.u32 $0x300, s7;
	[tilespmem:s19+$0x11000] =	vst v11  }
0x1c3: {  	s26 =	sor.u32 $0x300, s0;
	v2 =	vld.idx.msk [tilespmem:v2+s15+$0x0], $0xffff;
	[tilespmem:s20+$0x11000] =	vst v6  }
0x1c4: {  	s22 =	sor.u32 $0x300, s4;
	[tilespmem:s26+$0x11000] =	vst v7;
	v4 =	vld.idx.msk [tilespmem:v4+s15+$0x0], $0xffff  }
0x1c5: {  	[tilespmem:s22+$0x11000] =	vst v5;
	v1 =	vld.idx.msk [tilespmem:v1+s15+$0x0], $0xffff  }
0x1c6: {  	[tilespmem:s30+$0x11000] =	vst v3;
	v5 =	vld.idx.msk [tilespmem:v10+s15+$0x0], $0xffff  }
0x1c7: {  	s1 =	sor.u32 $0x380, s1;
	[tilespmem:s29+$0x11000] =	vst v0  }
0x1c8: {  	s2 =	sor.u32 $0x380, s7;
	[tilespmem:s1+$0x11000] =	vst v2  }
0x1c9: {  	s0 =	sor.u32 $0x380, s0;
	[tilespmem:s2+$0x11000] =	vst v4  }
0x1ca: {  	s25 =	sor.u32 $0x1000, s25;
	s7 =	rddreg [dreg:$0x2];
	s6 =	sor.u32 $0x380, s4;
	[tilespmem:s0+$0x11000] =	vst v1  }
0x1cb: {  	s8 =	simm.s32 $0x0;
	s10 =	simm.s32 $0x11000;
	s0 =	sadd.s32 s7, s25;
	[tilespmem:s6+$0x11000] =	vst v5  }
0x1cc: {  	[hbm4b:s0+s8] =	stream.linear.scatter [tilespmem:s10], [sflag:$0x3], $0x4000, $0x38;
	[tilespmem:$0x19000] =	vst v63  }
0x1cd: {  	_ =	swait.ge [sflag:s21], $0x4000  }
0x1ce: {  	[sflag:s21] =	ssyncset.done $0x0  }
0x1cf: {  	s11 =	simm.s32 $0x830;
	[sflag:s21] =	ssyncadd.s32 $0xFFFFC000  }
0x1d0: {  	s12 =	sand.u32 $0x7C0, s8;
	v0 =	vld [tilespmem:s11+$0xFFFFFFE0]  }
0x1d1: {  	v1 =	vld [tilespmem:s12+$0x800];
	_ =	sdelay $0x1  }
0x1d2: {  	v4 =	vld [tilespmem:s11+$0xFFFFFFF0];
	_ =	sdelay $0x1  }
0x1d3: {  	v5 =	vld [tilespmem:s11+$0x0]  }
0x1d4: {  	v2 =	vshll.u32 v0, $0x3;
	v3 =	vshll.u32 v1, $0x3  }
0x1d5: {  	v0 =	vand.u32 $0x7F, v0;
	v1 =	vand.u32 $0x7F, v1;
	v3 =	vand.u32 $0xFFFFFC00, v3  }
0x1d6: {  	v6 =	vshll.u32 v4, $0x3;
	v2 =	vand.u32 $0xFFFFFC00, v2;
	v3 =	vor.u32 v1, v3  }
0x1d7: {  	v2 =	vor.u32 v0, v2;
	v0 =	vand.u32 $0x7F, v4;
	v1 =	vand.u32 $0xFFFFFC00, v6  }
0x1d8: {  	v4 =	vshll.u32 v5, $0x3;
	v0 =	vor.u32 v0, v1  }
0x1d9: {  	v1 =	vand.u32 $0x7F, v5;
	v4 =	vand.u32 $0xFFFFFC00, v4  }
0x1da: {  	v1 =	vor.u32 v1, v4  }
0x1db: {  	v4 =	vld.idx.msk [tilespmem:v3+s15+$0x0], $0xffff  }
0x1dc: {  	v6 =	vor.u32 $0x80, v3;
	v5 =	vld.idx.msk [tilespmem:v2+s15+$0x0], $0xffff  }
0x1dd: {  	s30 =	sand.u32 $0x3C00, s8;
	v8 =	vor.u32 $0x80, v2;
	v7 =	vld.idx.msk [tilespmem:v0+s15+$0x0], $0xffff  }
0x1de: {  	s31 =	sand.u32 $0x40, s8;
	s13 =	sadd.s32 $0x15000, s30;
	v9 =	vor.u32 $0x80, v0  }
0x1df: {  	s29 =	sor.u32 $0x10, s31;
	s1 =	sor.u32 s31, s13;
	v10 =	vld.idx.msk [tilespmem:v1+s15+$0x0], $0xffff  }
0x1e0: {  	s16 =	sor.u32 s29, s13;
	s26 =	sor.u32 $0x20, s31;
	v11 =	vor.u32 $0x80, v1;
	[tilespmem:s1+$0x0] =	vst v4  }
0x1e1: {  	s17 =	sor.u32 s26, s13;
	[tilespmem:s16+$0x0] =	vst v5;
	v4 =	vld.idx.msk [tilespmem:v6+s15+$0x0], $0xffff  }
0x1e2: {  	s28 =	sor.u32 $0x30, s31;
	v5 =	vld.idx.msk [tilespmem:v8+s15+$0x0], $0xffff;
	[tilespmem:s17+$0x0] =	vst v7;
	v6 =	vor.u32 $0x100, v3  }
0x1e3: {  	s0 =	sor.u32 s28, s13;
	v8 =	vor.u32 $0x100, v2;
	v7 =	vld.idx.msk [tilespmem:v9+s15+$0x0], $0xffff  }
0x1e4: {  	s18 =	sadd.s32 $0x15080, s30;
	[tilespmem:s0+$0x0] =	vst v10;
	v9 =	vor.u32 $0x100, v0  }
0x1e5: {  	s19 =	simm.s32 $0x870;
	s20 =	sor.u32 s31, s18;
	v10 =	vld.idx.msk [tilespmem:v11+s15+$0x0], $0xffff  }
0x1e6: {  	s22 =	sor.u32 s29, s18;
	v13 =	vld [tilespmem:s19+$0x0];
	[tilespmem:s20+$0x0] =	vst v4  }
0x1e7: {  	s4 =	sor.u32 s26, s18;
	v12 =	vor.u32 $0x100, v1;
	[tilespmem:s22+$0x0] =	vst v5;
	v4 =	vld.idx.msk [tilespmem:v6+s15+$0x0], $0xffff  }
0x1e8: {  	v5 =	vld.idx.msk [tilespmem:v8+s15+$0x0], $0xffff;
	[tilespmem:s4+$0x0] =	vst v7;
	v6 =	vor.u32 $0x180, v3  }
0x1e9: {  	s0 =	sor.u32 s28, s18;
	v8 =	vor.u32 $0x180, v2;
	v7 =	vld.idx.msk [tilespmem:v9+s15+$0x0], $0xffff  }
0x1ea: {  	s6 =	sadd.s32 $0x15100, s30;
	v11 =	vld [tilespmem:s19+$0xFFFFFFE0];
	[tilespmem:s0+$0x0] =	vst v10;
	v10 =	vor.u32 $0x180, v0  }
0x1eb: {  	s7 =	sor.u32 s31, s6;
	v9 =	vld [tilespmem:s19+$0xFFFFFFF0]  }
0x1ec: {  	s8 =	sor.u32 s29, s6;
	v12 =	vld.idx.msk [tilespmem:v12+s15+$0x0], $0xffff;
	[tilespmem:s7+$0x0] =	vst v4  }
0x1ed: {  	s10 =	sor.u32 s26, s6;
	v4 =	vor.u32 $0x180, v1;
	[tilespmem:s8+$0x0] =	vst v5;
	v14 =	vld.idx.msk [tilespmem:v6+s15+$0x0], $0xffff  }
0x1ee: {  	s0 =	simm.s32 $0x40;
	v5 =	vld.idx.msk [tilespmem:v8+s15+$0x0], $0xffff;
	[tilespmem:s10+$0x0] =	vst v7  }
0x1ef: {  	s11 =	sand.u32 $0x7C0, s0;
	v7 =	vor.u32 $0x200, v3;
	v8 =	vld.idx.msk [tilespmem:v10+s15+$0x0], $0xffff  }
0x1f0: {  	s2 =	sor.u32 s28, s6;
	v15 =	vor.u32 $0x200, v2;
	v6 =	vshll.u32 v11, $0x3;
	v10 =	vld [tilespmem:s11+$0x800]  }
0x1f1: {  	s12 =	sadd.s32 $0x15180, s30;
	v11 =	vand.u32 $0x7F, v11;
	[tilespmem:s2+$0x0] =	vst v12;
	v6 =	vand.u32 $0xFFFFFC00, v6;
	v12 =	vor.u32 $0x200, v0  }
0x1f2: {  	s13 =	sor.u32 s31, s12;
	v6 =	vor.u32 v11, v6;
	v16 =	vld.idx.msk [tilespmem:v4+s15+$0x0], $0xffff;
	v4 =	vand.u32 $0x7F, v9;
	v9 =	vshll.u32 v9, $0x3  }
0x1f3: {  	s16 =	sor.u32 s29, s12;
	v11 =	vshll.u32 v13, $0x3;
	v9 =	vand.u32 $0xFFFFFC00, v9;
	[tilespmem:s13+$0x0] =	vst v14;
	v14 =	vor.u32 $0x200, v1  }
0x1f4: {  	s17 =	sor.u32 s26, s12;
	v11 =	vand.u32 $0xFFFFFC00, v11;
	[tilespmem:s16+$0x0] =	vst v5;
	v4 =	vor.u32 v4, v9;
	v9 =	vand.u32 $0x7F, v13;
	v17 =	vld.idx.msk [tilespmem:v7+s15+$0x0], $0xffff  }
0x1f5: {  	v7 =	vshll.u32 v10, $0x3;
	[tilespmem:s17+$0x0] =	vst v8;
	v5 =	vor.u32 v9, v11;
	v9 =	vld.idx.msk [tilespmem:v15+s15+$0x0], $0xffff  }
0x1f6: {  	s1 =	sor.u32 s28, s12;
	v8 =	vand.u32 $0x7F, v10;
	v10 =	vor.u32 $0x280, v3;
	v7 =	vand.u32 $0xFFFFFC00, v7;
	v11 =	vld.idx.msk [tilespmem:v12+s15+$0x0], $0xffff  }
0x1f7: {  	v12 =	vld.idx.msk [tilespmem:v6+s15+$0x0], $0xffff;
	v7 =	vor.u32 v8, v7;
	[tilespmem:s1+$0x0] =	vst v16  }
0x1f8: {  	s18 =	sadd.s32 $0x15200, s30;
	v8 =	vor.u32 $0x280, v2;
	v16 =	vld.idx.msk [tilespmem:v14+s15+$0x0], $0xffff  }
0x1f9: {  	v18 =	vor.u32 $0x280, v0;
	s19 =	sor.u32 s31, s18;
	v13 =	vld.idx.msk [tilespmem:v4+s15+$0x0], $0xffff  }
0x1fa: {  	v20 =	vor.u32 $0x280, v1;
	s20 =	sor.u32 s29, s18;
	[tilespmem:s19+$0x0] =	vst v17;
	v14 =	vld.idx.msk [tilespmem:v5+s15+$0x0], $0xffff  }
0x1fb: {  	s22 =	sor.u32 s26, s18;
	v15 =	vld.idx.msk [tilespmem:v10+s15+$0x0], $0xffff;
	[tilespmem:s20+$0x0] =	vst v9  }
0x1fc: {  	s1 =	sor.u32 s28, s18;
	[tilespmem:s22+$0x0] =	vst v11;
	v17 =	vld.idx.msk [tilespmem:v7+s15+$0x0], $0xffff  }
0x1fd: {  	v11 =	vld.idx.msk [tilespmem:v8+s15+$0x0], $0xffff;
	[tilespmem:s1+$0x0] =	vst v16;
	v16 =	vor.u32 $0x300, v3  }
0x1fe: {  	s3 =	simm.s32 $0x4;
	s8 =	simm.s32 $0x200;
	v19 =	vor.u32 $0x80, v7;
	v9 =	vld.idx.msk [tilespmem:v18+s15+$0x0], $0xffff  }
0x1ff: {  	s12 =	simm.s32 $0x8B0;
	s2 =	sand.u32 $0x3C00, s8;
	v18 =	vor.u32 $0x80, v6;
	s1 =	sadd.s32 $0x15280, s30;
	v8 =	vld.idx.msk [tilespmem:v20+s15+$0x0], $0xffff  }
.LBB2_9:
0x200: {  	v20 =	vld [tilespmem:s12+$0xFFFFFFE0];
	s4 =	sand.u32 $0x40, s0;
	s11 =	sadd.s32 $0x15000, s2;
	v21 =	vor.u32 $0x80, v4;
	s10 =	sor.u32 s31, s1  }
0x201: {  	v22 =	vor.u32 $0x80, v5;
	v10 =	vld [tilespmem:s12+$0xFFFFFFF0];
	s13 =	sor.u32 s4, s11;
	s6 =	sor.u32 $0x10, s4;
	s7 =	sor.u32 $0x20, s4;
	[tilespmem:s10+$0x0] =	vst v15  }
0x202: {  	s10 =	sor.u32 $0x30, s4;
	[tilespmem:s13+$0x0] =	vst v17;
	s13 =	sor.u32 s6, s11;
	s16 =	sor.u32 s7, s11;
	v15 =	vld.idx.msk [tilespmem:v16+s15+$0x0], $0xffff;
	v16 =	vor.u32 $0x300, v2  }
0x203: {  	s17 =	sor.u32 s26, s1;
	s11 =	sor.u32 s10, s11;
	v17 =	vld.idx.msk [tilespmem:v19+s15+$0x0], $0xffff;
	[tilespmem:s13+$0x0] =	vst v12;
	s13 =	sor.u32 s29, s1;
	v12 =	vor.u32 $0x300, v0  }
0x204: {  	s1 =	sor.u32 s28, s1;
	v18 =	vld.idx.msk [tilespmem:v18+s15+$0x0], $0xffff;
	[tilespmem:s16+$0x0] =	vst v13;
	v13 =	vor.u32 $0x380, v3;
	v3 =	vmov v7  }
0x205: {  	v7 =	vor.u32 $0x100, v3;
	v19 =	vld.idx.msk [tilespmem:v21+s15+$0x0], $0xffff;
	[tilespmem:s11+$0x0] =	vst v14  }
0x206: {  	v14 =	vor.u32 $0x100, v6;
	s11 =	sadd.s32 $0x15300, s30;
	v21 =	vld.idx.msk [tilespmem:v22+s15+$0x0], $0xffff;
	[tilespmem:s13+$0x0] =	vst v11  }
0x207: {  	s13 =	sadd.s32 $0x15080, s2;
	v11 =	vor.u32 $0x100, v4;
	s16 =	sor.u32 s31, s11;
	s18 =	sor.u32 s29, s11;
	v16 =	vld.idx.msk [tilespmem:v16+s15+$0x0], $0xffff;
	[tilespmem:s17+$0x0] =	vst v9  }
0x208: {  	s17 =	sor.u32 s4, s13;
	s19 =	sor.u32 s6, s13;
	s20 =	sor.u32 s7, s13;
	v9 =	vor.u32 $0x100, v5;
	[tilespmem:s16+$0x0] =	vst v15;
	v12 =	vld.idx.msk [tilespmem:v12+s15+$0x0], $0xffff  }
0x209: {  	s16 =	sor.u32 s10, s13;
	s13 =	sor.u32 s26, s11;
	v15 =	vor.u32 $0x300, v1;
	s11 =	sor.u32 s28, s11;
	[tilespmem:s17+$0x0] =	vst v17;
	v13 =	vld.idx.msk [tilespmem:v13+s15+$0x0], $0xffff  }
0x20a: {  	v17 =	vor.u32 $0x380, v2;
	v2 =	vmov v6;
	v7 =	vld.idx.msk [tilespmem:v7+s15+$0x0], $0xffff;
	[tilespmem:s19+$0x0] =	vst v18  }
0x20b: {  	v6 =	vld.idx.msk [tilespmem:v14+s15+$0x0], $0xffff;
	[tilespmem:s20+$0x0] =	vst v19  }
0x20c: {  	v14 =	vor.u32 $0x180, v3;
	v11 =	vld.idx.msk [tilespmem:v11+s15+$0x0], $0xffff;
	[tilespmem:s16+$0x0] =	vst v21  }
0x20d: {  	v18 =	vor.u32 $0x180, v2;
	s16 =	sadd.s32 $0x15380, s30;
	s30 =	smov.u32 s2;
	v9 =	vld.idx.msk [tilespmem:v9+s15+$0x0], $0xffff;
	[tilespmem:s1+$0x0] =	vst v8  }
0x20e: {  	s1 =	sadd.s32 $0x15100, s30;
	v8 =	vor.u32 $0x180, v4;
	s2 =	sor.u32 s31, s16;
	s17 =	sor.u32 s29, s16;
	[tilespmem:s18+$0x0] =	vst v16;
	v15 =	vld.idx.msk [tilespmem:v15+s15+$0x0], $0xffff  }
0x20f: {  	s18 =	sor.u32 s4, s1;
	s19 =	sor.u32 s6, s1;
	s20 =	sor.u32 s7, s1;
	[tilespmem:s2+$0x0] =	vst v13;
	v13 =	vld.idx.msk [tilespmem:v17+s15+$0x0], $0xffff  }
0x210: {  	s2 =	sor.u32 s26, s16;
	v16 =	vld [tilespmem:s12+$0x0];
	[tilespmem:s18+$0x0] =	vst v7;
	s18 =	sor.u32 s10, s1;
	v7 =	vor.u32 $0x180, v5;
	s1 =	sor.u32 s28, s16  }
0x211: {  	s31 =	smov.u32 s4;
	s29 =	smov.u32 s6;
	v17 =	vor.u32 $0x380, v0;
	v0 =	vmov v4;
	s26 =	smov.u32 s7;
	v14 =	vld.idx.msk [tilespmem:v14+s15+$0x0], $0xffff;
	[tilespmem:s19+$0x0] =	vst v6  }
0x212: {  	s0 =	sadd.s32 $0x40, s0;
	v4 =	vor.u32 $0x380, v1;
	v1 =	vmov v5;
	s28 =	smov.u32 s10;
	v18 =	vld.idx.msk [tilespmem:v18+s15+$0x0], $0xffff;
	[tilespmem:s20+$0x0] =	vst v11  }
0x213: {  	s3 =	sadd.s32 $0x4, s3;
	s4 =	sand.u32 $0x7C0, s0;
	v5 =	vor.u32 $0x200, v3;
	v8 =	vld.idx.msk [tilespmem:v8+s15+$0x0], $0xffff;
	[tilespmem:s18+$0x0] =	vst v9  }
0x214: {  	p1 =	slt.u32 s3, $0x7C;
	v6 =	vshll.u32 v20, $0x3;
	v11 =	vor.u32 $0x200, v2;
	v9 =	vld [tilespmem:s4+$0x800];
	[tilespmem:s13+$0x0] =	vst v12  }
0x215: {  	v19 =	vor.u32 $0x200, v0;
	v6 =	vand.u32 $0xFFFFFC00, v6;
	v12 =	vand.u32 $0x7F, v20;
	s4 =	sadd.s32 $0x15180, s30;
	v20 =	vld.idx.msk [tilespmem:v7+s15+$0x0], $0xffff;
	[tilespmem:s11+$0x0] =	vst v15  }
0x216: {  	v6 =	vor.u32 v12, v6;
	v7 =	vand.u32 $0x7F, v10;
	v10 =	vshll.u32 v10, $0x3;
	s6 =	sor.u32 s31, s4;
	s7 =	sor.u32 s29, s4;
	s10 =	sor.u32 s26, s4;
	[tilespmem:s17+$0x0] =	vst v13;
	v13 =	vld.idx.msk [tilespmem:v17+s15+$0x0], $0xffff  }
0x217: {  	v12 =	vshll.u32 v16, $0x3;
	s4 =	sor.u32 s28, s4;
	v10 =	vand.u32 $0xFFFFFC00, v10;
	[tilespmem:s6+$0x0] =	vst v14;
	v14 =	vor.u32 $0x200, v1;
	v15 =	vld.idx.msk [tilespmem:v4+s15+$0x0], $0xffff  }
0x218: {  	v4 =	vor.u32 v7, v10;
	v7 =	vand.u32 $0x7F, v16;
	v10 =	vand.u32 $0xFFFFFC00, v12;
	v16 =	vld.idx.msk [tilespmem:v5+s15+$0x0], $0xffff;
	[tilespmem:s7+$0x0] =	vst v18  }
0x219: {  	v5 =	vor.u32 v7, v10;
	v12 =	vshll.u32 v9, $0x3;
	v10 =	vld.idx.msk [tilespmem:v11+s15+$0x0], $0xffff;
	[tilespmem:s10+$0x0] =	vst v8  }
0x21a: {  	v7 =	vand.u32 $0x7F, v9;
	v9 =	vor.u32 $0x280, v3;
	v8 =	vand.u32 $0xFFFFFC00, v12;
	v11 =	vld.idx.msk [tilespmem:v19+s15+$0x0], $0xffff  }
0x21b: {  	v7 =	vor.u32 v7, v8;
	v12 =	vld.idx.msk [tilespmem:v6+s15+$0x0], $0xffff;
	[tilespmem:s4+$0x0] =	vst v20  }
0x21c: {  	s4 =	sadd.s32 $0x15200, s30;
	v8 =	vor.u32 $0x280, v2;
	v18 =	vld.idx.msk [tilespmem:v14+s15+$0x0], $0xffff;
	[tilespmem:s2+$0x0] =	vst v13  }
0x21d: {  	v20 =	vor.u32 $0x280, v0;
	s2 =	sor.u32 s31, s4;
	s6 =	sor.u32 s29, s4;
	s7 =	sor.u32 s26, s4;
	v13 =	vld.idx.msk [tilespmem:v4+s15+$0x0], $0xffff;
	[tilespmem:s1+$0x0] =	vst v15  }
0x21e: {  	v21 =	vor.u32 $0x280, v1;
	s1 =	sor.u32 s28, s4;
	v14 =	vld.idx.msk [tilespmem:v5+s15+$0x0], $0xffff;
	[tilespmem:s2+$0x0] =	vst v16  }
.Ltmp5:
0x21f: {  	v15 =	vld.idx.msk [tilespmem:v9+s15+$0x0], $0xffff;
	[tilespmem:s6+$0x0] =	vst v10;
	(pc) =	sbr.rel @p1 .LBB2_9-.Ltmp5, $4  }
0x220: {  	v17 =	vld.idx.msk [tilespmem:v7+s15+$0x0], $0xffff;
	[tilespmem:s7+$0x0] =	vst v11  }
0x221: {  	v16 =	vor.u32 $0x300, v3;
	v11 =	vld.idx.msk [tilespmem:v8+s15+$0x0], $0xffff  }
0x222: {  	s8 =	sadd.s32 $0x200, s8;
	v19 =	vor.u32 $0x80, v7;
	v9 =	vld.idx.msk [tilespmem:v20+s15+$0x0], $0xffff;
	[tilespmem:s1+$0x0] =	vst v18  }
0x223: {  	s12 =	sadd.s32 $0x40, s12;
	s2 =	sand.u32 $0x3C00, s8;
	v18 =	vor.u32 $0x80, v6;
	s1 =	sadd.s32 $0x15280, s30;
	v8 =	vld.idx.msk [tilespmem:v21+s15+$0x0], $0xffff  }
0x224: {  	_ = 	snop  }
0x225: {  	s0 =	sand.u32 $0x40, s0;
	s4 =	sadd.s32 $0x15000, s2;
	v10 =	vor.u32 $0x80, v4  }
0x226: {  	v20 =	vor.u32 $0x80, v5;
	s6 =	sor.u32 s0, s4;
	s3 =	sor.u32 $0x10, s0  }
0x227: {  	s7 =	sor.u32 $0x20, s0;
	[tilespmem:s6+$0x0] =	vst v17;
	s16 =	sor.u32 s3, s4  }
0x228: {  	s8 =	sor.u32 $0x30, s0;
	s10 =	sor.u32 s7, s4;
	v17 =	vld.idx.msk [tilespmem:v19+s15+$0x0], $0xffff;
	[tilespmem:s16+$0x0] =	vst v12  }
0x229: {  	v62 =	vor.u32 $0x100, v7;
	s4 =	sor.u32 s8, s4;
	[tilespmem:s10+$0x0] =	vst v13;
	v12 =	vld.idx.msk [tilespmem:v18+s15+$0x0], $0xffff  }
0x22a: {  	v63 =	vor.u32 $0x100, v6;
	[tilespmem:s4+$0x0] =	vst v14;
	v10 =	vld.idx.msk [tilespmem:v10+s15+$0x0], $0xffff  }
0x22b: {  	s17 =	sadd.s32 $0x15080, s2;
	v25 =	vor.u32 $0x100, v4;
	v24 =	vld.idx.msk [tilespmem:v20+s15+$0x0], $0xffff  }
0x22c: {  	v26 =	vor.u32 $0x100, v5;
	s18 =	sor.u32 s0, s17  }
0x22d: {  	s19 =	sor.u32 s3, s17;
	[tilespmem:s18+$0x0] =	vst v17  }
0x22e: {  	s20 =	sor.u32 s7, s17;
	v13 =	vld.idx.msk [tilespmem:v62+s15+$0x0], $0xffff;
	[tilespmem:s19+$0x0] =	vst v12  }
0x22f: {  	v27 =	vor.u32 $0x180, v7;
	s4 =	sor.u32 s8, s17;
	v12 =	vld.idx.msk [tilespmem:v63+s15+$0x0], $0xffff;
	[tilespmem:s20+$0x0] =	vst v10  }
0x230: {  	s22 =	sor.u32 s31, s1;
	v29 =	vor.u32 $0x180, v6;
	[tilespmem:s4+$0x0] =	vst v24;
	v28 =	vld.idx.msk [tilespmem:v25+s15+$0x0], $0xffff  }
0x231: {  	s11 =	sadd.s32 $0x15100, s2;
	v31 =	vor.u32 $0x180, v4;
	[tilespmem:s22+$0x0] =	vst v15;
	s10 =	sor.u32 s29, s1;
	v30 =	vld.idx.msk [tilespmem:v26+s15+$0x0], $0xffff  }
0x232: {  	v32 =	vor.u32 $0x180, v5;
	s12 =	sor.u32 s0, s11;
	[tilespmem:s10+$0x0] =	vst v11  }
0x233: {  	v16 =	vld.idx.msk [tilespmem:v16+s15+$0x0], $0xffff;
	s13 =	sor.u32 s3, s11;
	[tilespmem:s12+$0x0] =	vst v13  }
0x234: {  	v33 =	vor.u32 $0x300, v2;
	s16 =	sor.u32 s7, s11;
	v10 =	vld.idx.msk [tilespmem:v27+s15+$0x0], $0xffff;
	[tilespmem:s13+$0x0] =	vst v12  }
0x235: {  	v34 =	vor.u32 $0x200, v7;
	s6 =	sor.u32 s8, s11;
	v12 =	vld.idx.msk [tilespmem:v29+s15+$0x0], $0xffff;
	[tilespmem:s16+$0x0] =	vst v28  }
0x236: {  	v36 =	vor.u32 $0x200, v6;
	s17 =	sor.u32 s26, s1;
	s4 =	sadd.s32 $0x15300, s30;
	[tilespmem:s6+$0x0] =	vst v30;
	v35 =	vld.idx.msk [tilespmem:v31+s15+$0x0], $0xffff  }
0x237: {  	v37 =	vor.u32 $0x200, v4;
	[tilespmem:s17+$0x0] =	vst v9;
	s19 =	sadd.s32 $0x15180, s2;
	s18 =	sor.u32 s31, s4;
	v11 =	vld.idx.msk [tilespmem:v32+s15+$0x0], $0xffff  }
0x238: {  	v38 =	vor.u32 $0x200, v5;
	s20 =	sor.u32 s0, s19;
	[tilespmem:s18+$0x0] =	vst v16  }
0x239: {  	v45 =	vor.u32 $0x300, v1;
	s11 =	sor.u32 s3, s19;
	v13 =	vld.idx.msk [tilespmem:v33+s15+$0x0], $0xffff;
	[tilespmem:s20+$0x0] =	vst v10  }
0x23a: {  	v3 =	vor.u32 $0x380, v3;
	s22 =	sor.u32 s7, s19;
	v14 =	vld.idx.msk [tilespmem:v34+s15+$0x0], $0xffff;
	[tilespmem:s11+$0x0] =	vst v12  }
0x23b: {  	v40 =	vor.u32 $0x280, v7;
	s10 =	sor.u32 s8, s19;
	v12 =	vld.idx.msk [tilespmem:v36+s15+$0x0], $0xffff;
	[tilespmem:s22+$0x0] =	vst v35  }
0x23c: {  	v41 =	vor.u32 $0x280, v6;
	s12 =	sor.u32 s28, s1;
	[tilespmem:s10+$0x0] =	vst v11;
	v9 =	vld.idx.msk [tilespmem:v37+s15+$0x0], $0xffff  }
0x23d: {  	v43 =	vor.u32 $0x280, v4;
	s13 =	sor.u32 s29, s4;
	[tilespmem:s12+$0x0] =	vst v8;
	s16 =	sadd.s32 $0x15200, s2;
	v42 =	vld.idx.msk [tilespmem:v38+s15+$0x0], $0xffff  }
0x23e: {  	v44 =	vor.u32 $0x280, v5;
	v52 =	vld.idx.msk [tilespmem:v45+s15+$0x0], $0xffff;
	s17 =	sor.u32 s0, s16;
	[tilespmem:s13+$0x0] =	vst v13  }
0x23f: {  	v39 =	vor.u32 $0x300, v0;
	v3 =	vld.idx.msk [tilespmem:v3+s15+$0x0], $0xffff;
	s18 =	sor.u32 s3, s16;
	[tilespmem:s17+$0x0] =	vst v14  }
0x240: {  	v46 =	vor.u32 $0x380, v2;
	s19 =	sor.u32 s7, s16;
	v14 =	vld.idx.msk [tilespmem:v40+s15+$0x0], $0xffff;
	[tilespmem:s18+$0x0] =	vst v12  }
0x241: {  	v47 =	vor.u32 $0x300, v7;
	s1 =	sor.u32 s8, s16;
	[tilespmem:s19+$0x0] =	vst v9;
	v11 =	vld.idx.msk [tilespmem:v41+s15+$0x0], $0xffff  }
0x242: {  	v49 =	vor.u32 $0x300, v6;
	s10 =	sadd.s32 $0x15380, s30;
	s22 =	sor.u32 s26, s4;
	s4 =	sor.u32 s28, s4;
	[tilespmem:s1+$0x0] =	vst v42;
	v48 =	vld.idx.msk [tilespmem:v43+s15+$0x0], $0xffff  }
0x243: {  	v51 =	vor.u32 $0x300, v4;
	s30 =	sadd.s32 $0x15280, s2;
	s20 =	sor.u32 s31, s10;
	[tilespmem:s4+$0x0] =	vst v52;
	v50 =	vld.idx.msk [tilespmem:v44+s15+$0x0], $0xffff  }
0x244: {  	v53 =	vor.u32 $0x300, v5;
	v10 =	vld.idx.msk [tilespmem:v39+s15+$0x0], $0xffff;
	s31 =	sor.u32 s0, s30;
	[tilespmem:s20+$0x0] =	vst v3  }
0x245: {  	v55 =	vor.u32 $0x380, v1;
	v2 =	vld.idx.msk [tilespmem:v46+s15+$0x0], $0xffff;
	s11 =	sor.u32 s3, s30;
	[tilespmem:s31+$0x0] =	vst v14  }
0x246: {  	v54 =	vor.u32 $0x380, v0;
	s12 =	sor.u32 s7, s30;
	v9 =	vld.idx.msk [tilespmem:v47+s15+$0x0], $0xffff;
	[tilespmem:s11+$0x0] =	vst v11  }
0x247: {  	v56 =	vor.u32 $0x380, v7;
	s13 =	sor.u32 s8, s30;
	v8 =	vld.idx.msk [tilespmem:v49+s15+$0x0], $0xffff;
	[tilespmem:s12+$0x0] =	vst v48  }
0x248: {  	v58 =	vor.u32 $0x380, v6;
	[tilespmem:s13+$0x0] =	vst v50;
	v57 =	vld.idx.msk [tilespmem:v51+s15+$0x0], $0xffff  }
0x249: {  	v59 =	vor.u32 $0x380, v4;
	s16 =	sor.u32 s29, s10;
	[tilespmem:s22+$0x0] =	vst v10;
	s17 =	sadd.s32 $0x15300, s2;
	v3 =	vld.idx.msk [tilespmem:v53+s15+$0x0], $0xffff  }
0x24a: {  	v60 =	vor.u32 $0x380, v5;
	v1 =	vld.idx.msk [tilespmem:v55+s15+$0x0], $0xffff;
	[tilespmem:s16+$0x0] =	vst v2;
	s18 =	sor.u32 s0, s17  }
0x24b: {  	v0 =	vld.idx.msk [tilespmem:v54+s15+$0x0], $0xffff;
	s19 =	sor.u32 s3, s17;
	[tilespmem:s18+$0x0] =	vst v9  }
0x24c: {  	s20 =	sor.u32 s7, s17;
	v61 =	vld.idx.msk [tilespmem:v56+s15+$0x0], $0xffff;
	[tilespmem:s19+$0x0] =	vst v8  }
0x24d: {  	s4 =	sor.u32 s8, s17;
	v6 =	vld.idx.msk [tilespmem:v58+s15+$0x0], $0xffff;
	[tilespmem:s20+$0x0] =	vst v57  }
0x24e: {  	s22 =	sor.u32 s26, s10;
	s26 =	sor.u32 s28, s10;
	[tilespmem:s4+$0x0] =	vst v3;
	v62 =	vld.idx.msk [tilespmem:v59+s15+$0x0], $0xffff  }
0x24f: {  	s28 =	sadd.s32 $0x15380, s2;
	[tilespmem:s26+$0x0] =	vst v1;
	v63 =	vld.idx.msk [tilespmem:v60+s15+$0x0], $0xffff  }
0x250: {  	s0 =	sor.u32 s0, s28;
	[tilespmem:s22+$0x0] =	vst v0  }
.Ltmp6:
0x251: {  	s2 =	sor.u32 s3, s28;
	[tilespmem:s0+$0x0] =	vst v61;
	(pc) =	sbr.rel @p0 .LBB2_12-.Ltmp6, $4  }
0x252: {  	s29 =	sor.u32 s7, s28;
	[tilespmem:s2+$0x0] =	vst v6  }
0x253: {  	s1 =	sor.u32 s8, s28;
	[tilespmem:s29+$0x0] =	vst v62  }
0x254: {  	s30 =	sadd.s32 s25, s9;
	s31 =	simm.s32 $0x15000;
	[tilespmem:s1+$0x0] =	vst v63  }
0x255: {  	[hbm4b:s30+s5] =	stream.linear.scatter [tilespmem:s31], [sflag:$0x4], $0x4000, $0x38;
	[tilespmem:$0x19000] =	vst v63  }
0x256: {  	s0 =	rddreg [dreg:$0x8]  }
.Ltmp7:
0x257: {  	s0 =	sadd.s32 s24, s0;
	(pc) =	sbr.rel .LBB2_2-.Ltmp7, $4  }
0x258: {  	s0 =	sshll.u32 s0, $0xC  }
0x259: {  	s1 =	rddreg [dreg:$0x0];
	s0 =	sand.u32 $0x1FFFF000, s0  }
0x25a: {  	s23 =	sadd.s32 $0x1, s23;
	s0 =	sadd.s32 s1, s0  }
0x25b: {  	[tilespmem:s15], [sflag:$0x2] =	stream.linear.gather [hbm4b:s0+s5], $0x8000, $0x38;
	[tilespmem:$0x19000] =	vst v63  }
.LBB2_13:
0x25c: {  	_ =	sfence.sel $0x180000  }
0x25d: {  	[bflag:$0x0] =	sbarrier.arrive $0xFFFF  }
0x25e: {  	_ =	strace $0x90000047  }
0x25f: {  	s0 =	stileid.u32;
	[bflag:$0x2] =	sbarrier.arrive $0xFFFF  }
0x260: {  	p0 =	sne.s32 s0, $0x0;
	s0 =	rddreg [dreg:$0x3]  }
0x261: {  	s0 =	sadd.s32 @!p0 $0x100000, s0  }
0x262: {  	[sflag:s0] =	ssyncadd.tile.s32 @!p0 $0x1;
	_ =	shalt  }
.Lfunc_end2:
_tile_overlayer_lowered:
.L_overlay_start_2:
0x263: {  	(tag) =	ssettag $0x2  }
0x264: {  	s0 =	rddreg [dreg:$0x0];
	s2 =	stileid.u32  }
0x265: {  	s1 =	rddreg [dreg:$0x1];
	p0 =	sne.s32 s2, $0x0  }
0x266: {  	s3 =	rddreg [dreg:$0x2];
	[bflag:$0x3] =	sbarrier.arrive $0xFFFF;
	s2 =	simm.s32 @!p0 $0x1C05  }
0x267: {  	[timem:s3], [sflag:s2] =	dma.local @!p0 [hbm:s0], s1  }
0x268: {  	s0 =	simm.s32 @!p0 $0x5  }
0x269: {  	_ =	swait.ge @!p0 [sflag:s0], s1  }
0x26a: {  	s1 =	ssub.s32 @!p0 $0x0, s1;
	[sflag:s0] =	ssyncset.done @!p0 $0x0  }
0x26b: {  	[sflag:s0] =	ssyncadd.s32 @!p0 s1  }
0x26c: {  	[bflag:$0x3] =	sbarrier.arrive $0xFFFF  }
0x26d: {  	_ =	shalt  }

</sc_bundles>
